<compile_context>
chip_gen: v7x
topology: tpu7x:2x2x1
jax: 0.10.2.dev20260603
libtpu: 0.0.44.dev20260713+nightly
codegen_flags: <defaults>
</compile_context>

<pallas_src>
import functools

import jax
import jax.numpy as jnp
from jax import lax
from jax.experimental import pallas as pl
from jax.experimental.pallas import tpu as pltpu
from jax.experimental.pallas import tpu_sc as plsc

N = 10000
E = 320000
D = 128
H = 128

NC = 2
NS = 16
NW = NC * NS
EPW = E // NW
EB = 80
NB = EPW // EB
NQ = NB // 4
NA = N + 8
NH = N + 16
RPS = 624
ZR = 24
NTAIL = NA - NS * RPS


def _sc_gather_scatter(x, srcf, dstf):
    mesh = plsc.VectorSubcoreMesh(core_axis_name="c", subcore_axis_name="s")

    @functools.partial(
        pl.kernel,
        out_type=(
            jax.ShapeDtypeStruct((NC, NA, D), jnp.float32),
            jax.ShapeDtypeStruct((NC, NS, NH), jnp.float32),
        ),
        mesh=mesh,
        compiler_params=pltpu.CompilerParams(needs_layout_passes=False),
        scratch_types=[
            [pltpu.VMEM((EB,), jnp.int32)] * 4,
            [pltpu.VMEM((EB,), jnp.int32)] * 4,
            pltpu.VMEM((EB, D), jnp.float32),
            pltpu.VMEM((ZR, D), jnp.float32),
            pltpu.VMEM((NH,), jnp.float32),
            pltpu.VMEM_SHARED((NA, D), jnp.float32),
            [pltpu.SemaphoreType.DMA] * 4,
            pltpu.SemaphoreType.DMA,
        ],
    )
    def body(x_hbm, src_hbm, dst_hbm, out_hbm, deg_hbm,
             sidx, didx, rows, zbuf, hist, acc, sem_i, sem_g):
        c = lax.axis_index("c")
        s = lax.axis_index("s")
        w = c * NS + s
        base = w * EPW

        def idx_start(j, r):
            pltpu.async_copy(src_hbm.at[pl.ds(base + j * EB, EB)], sidx[r], sem_i[r])
            pltpu.async_copy(dst_hbm.at[pl.ds(base + j * EB, EB)], didx[r], sem_i[r])

        def idx_wait(j, r):
            pltpu.make_async_copy(
                src_hbm.at[pl.ds(base + j * EB, EB)], sidx[r], sem_i[r]).wait()
            pltpu.make_async_copy(
                dst_hbm.at[pl.ds(base + j * EB, EB)], didx[r], sem_i[r]).wait()

        for r in range(4):
            idx_start(r, r)

        z16 = jnp.zeros((16,), jnp.float32)
        for r in range(ZR):
            for k in range(D // 16):
                zbuf[r, pl.ds(k * 16, 16)] = z16

        def zstep(j, carry):
            pltpu.sync_copy(zbuf, acc.at[pl.ds(s * RPS + j * ZR, ZR)])
            return carry

        lax.fori_loop(0, RPS // ZR, zstep, 0)

        @pl.when(s == 0)
        def _():
            pltpu.sync_copy(zbuf.at[pl.ds(0, NTAIL)], acc.at[pl.ds(NS * RPS, NTAIL)])

        def hzstep(j, carry):
            hist[pl.ds(j * 16, 16)] = z16
            return carry

        lax.fori_loop(0, NH // 16, hzstep, 0)
        plsc.subcore_barrier()

        ones16 = jnp.ones((16,), jnp.float32)

        def hist_adds(r):
            for k in range(EB // 16):
                idx16 = didx[r][pl.ds(k * 16, 16)]
                plsc.addupdate_scatter(hist, [idx16], ones16)

        def do_batch(j, r):
            idx_wait(j, r)
            pltpu.async_copy(x_hbm.at[sidx[r]], rows, sem_g).wait()
            pltpu.sync_copy(rows, acc.at[didx[r]], add=True)
            hist_adds(r)

            @pl.when(j + 4 < NB)
            def _():
                idx_start(j + 4, r)

        def qstep(q, carry):
            j0 = 4 * q
            do_batch(j0, 0)
            do_batch(j0 + 1, 1)
            do_batch(j0 + 2, 2)
            do_batch(j0 + 3, 3)
            return carry

        lax.fori_loop(0, NQ, qstep, 0)
        for i in range(NQ * 4, NB):
            do_batch(i, i % 4)

        plsc.subcore_barrier()

        pltpu.sync_copy(hist, deg_hbm.at[c, s])

        @pl.when(s == 0)
        def _():
            pltpu.sync_copy(acc, out_hbm.at[c])

    return body(x, srcf, dstf)


BN = 1000


def _tc_body(x_ref, h_ref, c_ref, a0_ref, a1_ref, deg_ref, w1_ref, w2_ref,
             whh_ref, b_ref, wr_ref, br_ref, nh_ref, nc_ref, rp_ref):
    deg = jnp.maximum(deg_ref[...], 1.0)
    agg = (a0_ref[...] + a1_ref[...]) / deg

    xb = x_ref[...]
    hb = h_ref[...]
    gates = (
        jnp.dot(xb, w1_ref[...], preferred_element_type=jnp.float32)
        + jnp.dot(agg, w2_ref[...], preferred_element_type=jnp.float32)
        + jnp.dot(hb, whh_ref[...], preferred_element_type=jnp.float32)
        + b_ref[...]
    )
    i_g = 1.0 / (1.0 + jnp.exp(-gates[:, 0 * H:1 * H]))
    f_g = 1.0 / (1.0 + jnp.exp(-gates[:, 1 * H:2 * H]))
    g_g = jnp.tanh(gates[:, 2 * H:3 * H])
    o_g = 1.0 / (1.0 + jnp.exp(-gates[:, 3 * H:4 * H]))
    new_c = f_g * c_ref[...] + i_g * g_g
    new_h = o_g * jnp.tanh(new_c)
    nc_ref[...] = new_c
    nh_ref[...] = new_h

    logits = jnp.dot(new_h, wr_ref[...], preferred_element_type=jnp.float32)
    logits = logits + br_ref[...]
    m = jnp.max(logits, axis=1, keepdims=True)
    e = jnp.exp(logits - m)
    probs = e / jnp.sum(e, axis=1, keepdims=True)
    rp_ref[...] = probs[:, :3]


def _tc_dense(x, h, c, a0, a1, deg, W1, W2, W_hh, b, Wr_pad, br_pad):
    grid = (N // BN,)
    blk = lambda rows, cols: pl.BlockSpec((rows, cols), lambda i: (i, 0))
    full = lambda rows, cols: pl.BlockSpec((rows, cols), lambda i: (0, 0))
    return pl.pallas_call(
        _tc_body,
        grid=grid,
        in_specs=[
            blk(BN, D),
            blk(BN, H),
            blk(BN, H),
            blk(BN, D),
            blk(BN, D),
            blk(BN, 1),
            full(D, 4 * H),
            full(D, 4 * H),
            full(H, 4 * H),
            pl.BlockSpec((4 * H,), lambda i: (0,)),
            full(H, 128),
            pl.BlockSpec((128,), lambda i: (0,)),
        ],
        out_specs=[
            blk(BN, H),
            blk(BN, H),
            blk(BN, 3),
        ],
        out_shape=[
            jax.ShapeDtypeStruct((N, H), jnp.float32),
            jax.ShapeDtypeStruct((N, H), jnp.float32),
            jax.ShapeDtypeStruct((N, 3), jnp.float32),
        ],
    )(x, h, c, a0, a1, deg, W1, W2, W_hh, b, Wr_pad, br_pad)


def kernel(x, h, c, edge_index, W_ih, W_hh, b, W_role, b_role):
    src3 = edge_index[0]
    dst3 = edge_index[1]
    part, deg_tiles = _sc_gather_scatter(x, src3, dst3)
    deg = jnp.sum(deg_tiles, axis=(0, 1))[:N].reshape(N, 1)

    W1 = W_ih[:D]
    W2 = W_ih[D:]
    Wr_pad = jnp.zeros((H, 128), jnp.float32).at[:, :3].set(W_role)
    br_pad = jnp.full((128,), -1e30, jnp.float32).at[:3].set(b_role)

    new_h, new_c, role_probs = _tc_dense(
        x, h, c, part[0, :N], part[1, :N], deg, W1, W2, W_hh, b, Wr_pad, br_pad
    )
    return new_h, new_c, role_probs

# --- scband reference (transcript-rebuilt; emitter-appended) ---
"""Pipeline reference for scband-zeta-organism-lstm-71433896067267 (READ-ONLY COPY).

The authoritative reference and input builder live on the scoring server;
editing this copy changes nothing except your own understanding.
"""

import jax, jax.numpy as jnp
import numpy as np

N = 10000      # n_cells (nodes)
E = 320000     # neighbor edges (avg_degree=32)
D = 128        # state_dim
H = 128        # hidden_dim


def setup_inputs(seed: int = 0) -> dict:
    key = jax.random.key(seed)
    ks = jax.random.split(key, 10)
    x = jax.random.normal(ks[0], (N, D), dtype=jnp.float32) * 0.1
    h = jax.random.normal(ks[1], (N, H), dtype=jnp.float32) * 0.1
    c = jax.random.normal(ks[2], (N, H), dtype=jnp.float32) * 0.1
    edge_index = jax.random.randint(ks[3], (2, E), 0, N).astype(jnp.int32)
    # Learned parameters (ZetaLSTMCell-style gates over [own_state, neighbor_agg])
    W_ih = jax.random.normal(ks[4], (2 * D, 4 * H), dtype=jnp.float32) * 0.05
    W_hh = jax.random.normal(ks[5], (H, 4 * H), dtype=jnp.float32) * 0.05
    b = jnp.zeros((4 * H,), dtype=jnp.float32)
    W_role = jax.random.normal(ks[6], (H, 3), dtype=jnp.float32) * 0.05
    b_role = jnp.zeros((3,), dtype=jnp.float32)
    return {"x": x, "h": h, "c": c, "edge_index": edge_index,
            "W_ih": W_ih, "W_hh": W_hh, "b": b,
            "W_role": W_role, "b_role": b_role}


def reference(x, h, c, edge_index, W_ih, W_hh, b, W_role, b_role):
    """Vectorized ZetaOrganismLSTM.step core: per-cell neighbor aggregation
    (message passing over edge_index), persistent LSTM-cell state update,
    and role-probability head. All n_cells processed in one batch."""
    src = edge_index[0]
    dst = edge_index[1]
    # gather neighbor states (messages)
    msgs = jnp.take(x, src, axis=0)                       # [E, D]
    # scatter-add into destination cells (mean over neighbors)
    agg = jax.ops.segment_sum(msgs, dst, num_segments=N)  # [N, D]
    deg = jax.ops.segment_sum(jnp.ones((E, 1), dtype=x.dtype), dst, num_segments=N)
    agg = agg / jnp.maximum(deg, 1.0)
    # LSTM cell over [own_state, neighbor_aggregate]
    inp = jnp.concatenate([x, agg], axis=-1)              # [N, 2D]
    gates = inp @ W_ih + h @ W_hh + b                     # [N, 4H]
    i_g, f_g, g_g, o_g = jnp.split(gates, 4, axis=-1)
    i_g = jax.nn.sigmoid(i_g)
    f_g = jax.nn.sigmoid(f_g)
    g_g = jnp.tanh(g_g)
    o_g = jax.nn.sigmoid(o_g)
    new_c = f_g * c + i_g * g_g
    new_h = o_g * jnp.tanh(new_c)
    # role head (Mass / Fi / other) -> softmax probs
    role_logits = new_h @ W_role + b_role
    role_probs = jax.nn.softmax(role_logits, axis=-1)
    return new_h, new_c, role_probs

if __name__ == "__main__":
    import jax
    _d = setup_inputs()
    print(jax.jit(kernel)(*tuple(_d.values())))

</pallas_src>

<mosaic_0001>
#map = affine_map<(d0, d1) -> (0, 0)>
#map1 = affine_map<(d0, d1) -> (0)>
#map2 = affine_map<(d0, d1) -> (0, 0, 0)>
module attributes {stable_mosaic.version = 14 : i64} {
  func.func @body(%arg0: i32, %arg1: i32, %arg2: memref<10000x128xf32, #tpu.memory_space<hbm>>, %arg3: memref<320000xi32, #tpu.memory_space<hbm>>, %arg4: memref<320000xi32, #tpu.memory_space<hbm>>, %arg5: memref<2x10008x128xf32, #tpu.memory_space<hbm>>, %arg6: memref<2x16x10016xf32, #tpu.memory_space<hbm>>, %arg7: memref<80xi32, #tpu.memory_space<vmem>>, %arg8: memref<80xi32, #tpu.memory_space<vmem>>, %arg9: memref<80xi32, #tpu.memory_space<vmem>>, %arg10: memref<80xi32, #tpu.memory_space<vmem>>, %arg11: memref<80xi32, #tpu.memory_space<vmem>>, %arg12: memref<80xi32, #tpu.memory_space<vmem>>, %arg13: memref<80xi32, #tpu.memory_space<vmem>>, %arg14: memref<80xi32, #tpu.memory_space<vmem>>, %arg15: memref<80x128xf32, #tpu.memory_space<vmem>>, %arg16: memref<24x128xf32, #tpu.memory_space<vmem>>, %arg17: memref<10016xf32, #tpu.memory_space<vmem>>, %arg18: memref<10008x128xf32, #tpu.memory_space<vmem_shared>>, %arg19: memref<!tpu.dma_semaphore, #tpu.memory_space<semaphore_mem>>, %arg20: memref<!tpu.dma_semaphore, #tpu.memory_space<semaphore_mem>>, %arg21: memref<!tpu.dma_semaphore, #tpu.memory_space<semaphore_mem>>, %arg22: memref<!tpu.dma_semaphore, #tpu.memory_space<semaphore_mem>>, %arg23: memref<!tpu.dma_semaphore, #tpu.memory_space<semaphore_mem>>) attributes {dimension_semantics = [#tpu.dimension_semantics<core_parallel>, #tpu.dimension_semantics<subcore_parallel>], iteration_bounds = array<i64: 2, 16>, scalar_prefetch = 0 : i64, scratch_operands = 17 : i64, tpu.core_type = #tpu.core_type<sc_vector_subcore>, window_params = [{transform_indices = #map}, {transform_indices = #map1}, {transform_indices = #map1}, {transform_indices = #map2}, {transform_indices = #map2}]} {
    %mul3A = arith.constant 16 : i32
    %mul3A_0 = arith.muli %arg0, %mul3A : i32
    %add3A = arith.addi %mul3A_0, %arg1 : i32
    %mul3A_1 = arith.constant 10000 : i32
    %mul3A_2 = arith.muli %add3A, %mul3A_1 : i32
    %add3A_3 = arith.constant 0 : i32
    %add3A_4 = arith.addi %mul3A_2, %add3A_3 : i32
    %dma_start3A = tpu.memref_slice %arg3[%add3A_4] : memref<320000xi32, #tpu.memory_space<hbm>> -> memref<80xi32, #tpu.memory_space<hbm>>
    %dma_start3A_5 = tpu.memref_slice %arg3[%add3A_4] : memref<320000xi32, #tpu.memory_space<hbm>> -> memref<80xi32, #tpu.memory_space<hbm>>
    tpu.enqueue_dma source(%dma_start3A_5 : memref<80xi32, #tpu.memory_space<hbm>>) target(%arg7 : memref<80xi32, #tpu.memory_space<vmem>>) target_semaphore(%arg19 : memref<!tpu.dma_semaphore, #tpu.memory_space<semaphore_mem>>)
    %add3A_6 = arith.constant 0 : i32
    %add3A_7 = arith.addi %mul3A_2, %add3A_6 : i32
    %dma_start3A_8 = tpu.memref_slice %arg4[%add3A_7] : memref<320000xi32, #tpu.memory_space<hbm>> -> memref<80xi32, #tpu.memory_space<hbm>>
    %dma_start3A_9 = tpu.memref_slice %arg4[%add3A_7] : memref<320000xi32, #tpu.memory_space<hbm>> -> memref<80xi32, #tpu.memory_space<hbm>>
    tpu.enqueue_dma source(%dma_start3A_9 : memref<80xi32, #tpu.memory_space<hbm>>) target(%arg11 : memref<80xi32, #tpu.memory_space<vmem>>) target_semaphore(%arg19 : memref<!tpu.dma_semaphore, #tpu.memory_space<semaphore_mem>>)
    %add3A_10 = arith.constant 80 : i32
    %add3A_11 = arith.addi %mul3A_2, %add3A_10 : i32
    %dma_start3A_12 = tpu.memref_slice %arg3[%add3A_11] : memref<320000xi32, #tpu.memory_space<hbm>> -> memref<80xi32, #tpu.memory_space<hbm>>
    %dma_start3A_13 = tpu.memref_slice %arg3[%add3A_11] : memref<320000xi32, #tpu.memory_space<hbm>> -> memref<80xi32, #tpu.memory_space<hbm>>
    tpu.enqueue_dma source(%dma_start3A_13 : memref<80xi32, #tpu.memory_space<hbm>>) target(%arg8 : memref<80xi32, #tpu.memory_space<vmem>>) target_semaphore(%arg20 : memref<!tpu.dma_semaphore, #tpu.memory_space<semaphore_mem>>)
    %add3A_14 = arith.constant 80 : i32
    %add3A_15 = arith.addi %mul3A_2, %add3A_14 : i32
    %dma_start3A_16 = tpu.memref_slice %arg4[%add3A_15] : memref<320000xi32, #tpu.memory_space<hbm>> -> memref<80xi32, #tpu.memory_space<hbm>>
    %dma_start3A_17 = tpu.memref_slice %arg4[%add3A_15] : memref<320000xi32, #tpu.memory_space<hbm>> -> memref<80xi32, #tpu.memory_space<hbm>>
    tpu.enqueue_dma source(%dma_start3A_17 : memref<80xi32, #tpu.memory_space<hbm>>) target(%arg12 : memref<80xi32, #tpu.memory_space<vmem>>) target_semaphore(%arg20 : memref<!tpu.dma_semaphore, #tpu.memory_space<semaphore_mem>>)
    %add3A_18 = arith.constant 160 : i32
    %add3A_19 = arith.addi %mul3A_2, %add3A_18 : i32
    %dma_start3A_20 = tpu.memref_slice %arg3[%add3A_19] : memref<320000xi32, #tpu.memory_space<hbm>> -> memref<80xi32, #tpu.memory_space<hbm>>
    %dma_start3A_21 = tpu.memref_slice %arg3[%add3A_19] : memref<320000xi32, #tpu.memory_space<hbm>> -> memref<80xi32, #tpu.memory_space<hbm>>
    tpu.enqueue_dma source(%dma_start3A_21 : memref<80xi32, #tpu.memory_space<hbm>>) target(%arg9 : memref<80xi32, #tpu.memory_space<vmem>>) target_semaphore(%arg21 : memref<!tpu.dma_semaphore, #tpu.memory_space<semaphore_mem>>)
    %add3A_22 = arith.constant 160 : i32
    %add3A_23 = arith.addi %mul3A_2, %add3A_22 : i32
    %dma_start3A_24 = tpu.memref_slice %arg4[%add3A_23] : memref<320000xi32, #tpu.memory_space<hbm>> -> memref<80xi32, #tpu.memory_space<hbm>>
    %dma_start3A_25 = tpu.memref_slice %arg4[%add3A_23] : memref<320000xi32, #tpu.memory_space<hbm>> -> memref<80xi32, #tpu.memory_space<hbm>>
    tpu.enqueue_dma source(%dma_start3A_25 : memref<80xi32, #tpu.memory_space<hbm>>) target(%arg13 : memref<80xi32, #tpu.memory_space<vmem>>) target_semaphore(%arg21 : memref<!tpu.dma_semaphore, #tpu.memory_space<semaphore_mem>>)
    %add3A_26 = arith.constant 240 : i32
    %add3A_27 = arith.addi %mul3A_2, %add3A_26 : i32
    %dma_start3A_28 = tpu.memref_slice %arg3[%add3A_27] : memref<320000xi32, #tpu.memory_space<hbm>> -> memref<80xi32, #tpu.memory_space<hbm>>
    %dma_start3A_29 = tpu.memref_slice %arg3[%add3A_27] : memref<320000xi32, #tpu.memory_space<hbm>> -> memref<80xi32, #tpu.memory_space<hbm>>
    tpu.enqueue_dma source(%dma_start3A_29 : memref<80xi32, #tpu.memory_space<hbm>>) target(%arg10 : memref<80xi32, #tpu.memory_space<vmem>>) target_semaphore(%arg22 : memref<!tpu.dma_semaphore, #tpu.memory_space<semaphore_mem>>)
    %add3A_30 = arith.constant 240 : i32
    %add3A_31 = arith.addi %mul3A_2, %add3A_30 : i32
    %dma_start3A_32 = tpu.memref_slice %arg4[%add3A_31] : memref<320000xi32, #tpu.memory_space<hbm>> -> memref<80xi32, #tpu.memory_space<hbm>>
    %dma_start3A_33 = tpu.memref_slice %arg4[%add3A_31] : memref<320000xi32, #tpu.memory_space<hbm>> -> memref<80xi32, #tpu.memory_space<hbm>>
    tpu.enqueue_dma source(%dma_start3A_33 : memref<80xi32, #tpu.memory_space<hbm>>) target(%arg14 : memref<80xi32, #tpu.memory_space<vmem>>) target_semaphore(%arg22 : memref<!tpu.dma_semaphore, #tpu.memory_space<semaphore_mem>>)
    %broadcast_in_dim3A = arith.constant 0.000000e+00 : f32
    %broadcast_in_dim3A_34 = vector.broadcast %broadcast_in_dim3A : f32 to vector<16xf32>
    %swap3A = arith.constant 0 : i32
    %swap3A_35 = arith.index_cast %swap3A : i32 to index
    %swap3A_36 = arith.constant 0 : index
    %swap3A_37 = tpu.vector_load %arg16[%swap3A_35, %swap3A_36] {strides = array<i32>} : memref<24x128xf32, #tpu.memory_space<vmem>>, vector<16xf32>,
    tpu.vector_store %arg16[%swap3A_35, %swap3A_36], %broadcast_in_dim3A_34 {strides = array<i32>} : memref<24x128xf32, #tpu.memory_space<vmem>>, vector<16xf32>,
    %swap3A_38 = arith.constant 0 : i32
    %swap3A_39 = arith.index_cast %swap3A_38 : i32 to index
    %swap3A_40 = arith.constant 16 : index
    %swap3A_41 = tpu.vector_load %arg16[%swap3A_39, %swap3A_40] {strides = array<i32>} : memref<24x128xf32, #tpu.memory_space<vmem>>, vector<16xf32>,
    tpu.vector_store %arg16[%swap3A_39, %swap3A_40], %broadcast_in_dim3A_34 {strides = array<i32>} : memref<24x128xf32, #tpu.memory_space<vmem>>, vector<16xf32>,
    %swap3A_42 = arith.constant 0 : i32
    %swap3A_43 = arith.index_cast %swap3A_42 : i32 to index
    %swap3A_44 = arith.constant 32 : index
    %swap3A_45 = tpu.vector_load %arg16[%swap3A_43, %swap3A_44] {strides = array<i32>} : memref<24x128xf32, #tpu.memory_space<vmem>>, vector<16xf32>,
    tpu.vector_store %arg16[%swap3A_43, %swap3A_44], %broadcast_in_dim3A_34 {strides = array<i32>} : memref<24x128xf32, #tpu.memory_space<vmem>>, vector<16xf32>,
    %swap3A_46 = arith.constant 0 : i32
    %swap3A_47 = arith.index_cast %swap3A_46 : i32 to index
    %swap3A_48 = arith.constant 48 : index
    %swap3A_49 = tpu.vector_load %arg16[%swap3A_47, %swap3A_48] {strides = array<i32>} : memref<24x128xf32, #tpu.memory_space<vmem>>, vector<16xf32>,
    tpu.vector_store %arg16[%swap3A_47, %swap3A_48], %broadcast_in_dim3A_34 {strides = array<i32>} : memref<24x128xf32, #tpu.memory_space<vmem>>, vector<16xf32>,
    %swap3A_50 = arith.constant 0 : i32
    %swap3A_51 = arith.index_cast %swap3A_50 : i32 to index
    %swap3A_52 = arith.constant 64 : index
    %swap3A_53 = tpu.vector_load %arg16[%swap3A_51, %swap3A_52] {strides = array<i32>} : memref<24x128xf32, #tpu.memory_space<vmem>>, vector<16xf32>,
    tpu.vector_store %arg16[%swap3A_51, %swap3A_52], %broadcast_in_dim3A_34 {strides = array<i32>} : memref<24x128xf32, #tpu.memory_space<vmem>>, vector<16xf32>,
    %swap3A_54 = arith.constant 0 : i32
    %swap3A_55 = arith.index_cast %swap3A_54 : i32 to index
    %swap3A_56 = arith.constant 80 : index
    %swap3A_57 = tpu.vector_load %arg16[%swap3A_55, %swap3A_56] {strides = array<i32>} : memref<24x128xf32, #tpu.memory_space<vmem>>, vector<16xf32>,
    tpu.vector_store %arg16[%swap3A_55, %swap3A_56], %broadcast_in_dim3A_34 {strides = array<i32>} : memref<24x128xf32, #tpu.memory_space<vmem>>, vector<16xf32>,
    %swap3A_58 = arith.constant 0 : i32
    %swap3A_59 = arith.index_cast %swap3A_58 : i32 to index
    %swap3A_60 = arith.constant 96 : index
    %swap3A_61 = tpu.vector_load %arg16[%swap3A_59, %swap3A_60] {strides = array<i32>} : memref<24x128xf32, #tpu.memory_space<vmem>>, vector<16xf32>,
    tpu.vector_store %arg16[%swap3A_59, %swap3A_60], %broadcast_in_dim3A_34 {strides = array<i32>} : memref<24x128xf32, #tpu.memory_space<vmem>>, vector<16xf32>,
    %swap3A_62 = arith.constant 0 : i32
    %swap3A_63 = arith.index_cast %swap3A_62 : i32 to index
    %swap3A_64 = arith.constant 112 : index
    %swap3A_65 = tpu.vector_load %arg16[%swap3A_63, %swap3A_64] {strides = array<i32>} : memref<24x128xf32, #tpu.memory_space<vmem>>, vector<16xf32>,
    tpu.vector_store %arg16[%swap3A_63, %swap3A_64], %broadcast_in_dim3A_34 {strides = array<i32>} : memref<24x128xf32, #tpu.memory_space<vmem>>, vector<16xf32>,
    %swap3A_66 = arith.constant 1 : i32
    %swap3A_67 = arith.index_cast %swap3A_66 : i32 to index
    %swap3A_68 = arith.constant 0 : index
    %swap3A_69 = tpu.vector_load %arg16[%swap3A_67, %swap3A_68] {strides = array<i32>} : memref<24x128xf32, #tpu.memory_space<vmem>>, vector<16xf32>,
    tpu.vector_store %arg16[%swap3A_67, %swap3A_68], %broadcast_in_dim3A_34 {strides = array<i32>} : memref<24x128xf32, #tpu.memory_space<vmem>>, vector<16xf32>,
    %swap3A_70 = arith.constant 1 : i32
    %swap3A_71 = arith.index_cast %swap3A_70 : i32 to index
    %swap3A_72 = arith.constant 16 : index
    %swap3A_73 = tpu.vector_load %arg16[%swap3A_71, %swap3A_72] {strides = array<i32>} : memref<24x128xf32, #tpu.memory_space<vmem>>, vector<16xf32>,
    tpu.vector_store %arg16[%swap3A_71, %swap3A_72], %broadcast_in_dim3A_34 {strides = array<i32>} : memref<24x128xf32, #tpu.memory_space<vmem>>, vector<16xf32>,
    %swap3A_74 = arith.constant 1 : i32
    %swap3A_75 = arith.index_cast %swap3A_74 : i32 to index
    %swap3A_76 = arith.constant 32 : index
    %swap3A_77 = tpu.vector_load %arg16[%swap3A_75, %swap3A_76] {strides = array<i32>} : memref<24x128xf32, #tpu.memory_space<vmem>>, vector<16xf32>,
    tpu.vector_store %arg16[%swap3A_75, %swap3A_76], %broadcast_in_dim3A_34 {strides = array<i32>} : memref<24x128xf32, #tpu.memory_space<vmem>>, vector<16xf32>,
    %swap3A_78 = arith.constant 1 : i32
    %swap3A_79 = arith.index_cast %swap3A_78 : i32 to index
    %swap3A_80 = arith.constant 48 : index
    %swap3A_81 = tpu.vector_load %arg16[%swap3A_79, %swap3A_80] {strides = array<i32>} : memref<24x128xf32, #tpu.memory_space<vmem>>, vector<16xf32>,
    tpu.vector_store %arg16[%swap3A_79, %swap3A_80], %broadcast_in_dim3A_34 {strides = array<i32>} : memref<24x128xf32, #tpu.memory_space<vmem>>, vector<16xf32>,
    %swap3A_82 = arith.constant 1 : i32
    %swap3A_83 = arith.index_cast %swap3A_82 : i32 to index
    %swap3A_84 = arith.constant 64 : index
    %swap3A_85 = tpu.vector_load %arg16[%swap3A_83, %swap3A_84] {strides = array<i32>} : memref<24x128xf32, #tpu.memory_space<vmem>>, vector<16xf32>,
    tpu.vector_store %arg16[%swap3A_83, %swap3A_84], %broadcast_in_dim3A_34 {strides = array<i32>} : memref<24x128xf32, #tpu.memory_space<vmem>>, vector<16xf32>,
    %swap3A_86 = arith.constant 1 : i32
    %swap3A_87 = arith.index_cast %swap3A_86 : i32 to index
    %swap3A_88 = arith.constant 80 : index
    %swap3A_89 = tpu.vector_load %arg16[%swap3A_87, %swap3A_88] {strides = array<i32>} : memref<24x128xf32, #tpu.memory_space<vmem>>, vector<16xf32>,
    tpu.vector_store %arg16[%swap3A_87, %swap3A_88], %broadcast_in_dim3A_34 {strides = array<i32>} : memref<24x128xf32, #tpu.memory_space<vmem>>, vector<16xf32>,
    %swap3A_90 = arith.constant 1 : i32
    %swap3A_91 = arith.index_cast %swap3A_90 : i32 to index
    %swap3A_92 = arith.constant 96 : index
    %swap3A_93 = tpu.vector_load %arg16[%swap3A_91, %swap3A_92] {strides = array<i32>} : memref<24x128xf32, #tpu.memory_space<vmem>>, vector<16xf32>,
    tpu.vector_store %arg16[%swap3A_91, %swap3A_92], %broadcast_in_dim3A_34 {strides = array<i32>} : memref<24x128xf32, #tpu.memory_space<vmem>>, vector<16xf32>,
    %swap3A_94 = arith.constant 1 : i32
    %swap3A_95 = arith.index_cast %swap3A_94 : i32 to index
    %swap3A_96 = arith.constant 112 : index
    %swap3A_97 = tpu.vector_load %arg16[%swap3A_95, %swap3A_96] {strides = array<i32>} : memref<24x128xf32, #tpu.memory_space<vmem>>, vector<16xf32>,
    tpu.vector_store %arg16[%swap3A_95, %swap3A_96], %broadcast_in_dim3A_34 {strides = array<i32>} : memref<24x128xf32, #tpu.memory_space<vmem>>, vector<16xf32>,
    %swap3A_98 = arith.constant 2 : i32
    %swap3A_99 = arith.index_cast %swap3A_98 : i32 to index
    %swap3A_100 = arith.constant 0 : index
    %swap3A_101 = tpu.vector_load %arg16[%swap3A_99, %swap3A_100] {strides = array<i32>} : memref<24x128xf32, #tpu.memory_space<vmem>>, vector<16xf32>,
    tpu.vector_store %arg16[%swap3A_99, %swap3A_100], %broadcast_in_dim3A_34 {strides = array<i32>} : memref<24x128xf32, #tpu.memory_space<vmem>>, vector<16xf32>,
    %swap3A_102 = arith.constant 2 : i32
    %swap3A_103 = arith.index_cast %swap3A_102 : i32 to index
    %swap3A_104 = arith.constant 16 : index
    %swap3A_105 = tpu.vector_load %arg16[%swap3A_103, %swap3A_104] {strides = array<i32>} : memref<24x128xf32, #tpu.memory_space<vmem>>, vector<16xf32>,
    tpu.vector_store %arg16[%swap3A_103, %swap3A_104], %broadcast_in_dim3A_34 {strides = array<i32>} : memref<24x128xf32, #tpu.memory_space<vmem>>, vector<16xf32>,
    %swap3A_106 = arith.constant 2 : i32
    %swap3A_107 = arith.index_cast %swap3A_106 : i32 to index
    %swap3A_108 = arith.constant 32 : index
    %swap3A_109 = tpu.vector_load %arg16[%swap3A_107, %swap3A_108] {strides = array<i32>} : memref<24x128xf32, #tpu.memory_space<vmem>>, vector<16xf32>,
    tpu.vector_store %arg16[%swap3A_107, %swap3A_108], %broadcast_in_dim3A_34 {strides = array<i32>} : memref<24x128xf32, #tpu.memory_space<vmem>>, vector<16xf32>,
    %swap3A_110 = arith.constant 2 : i32
    %swap3A_111 = arith.index_cast %swap3A_110 : i32 to index
    %swap3A_112 = arith.constant 48 : index
    %swap3A_113 = tpu.vector_load %arg16[%swap3A_111, %swap3A_112] {strides = array<i32>} : memref<24x128xf32, #tpu.memory_space<vmem>>, vector<16xf32>,
    tpu.vector_store %arg16[%swap3A_111, %swap3A_112], %broadcast_in_dim3A_34 {strides = array<i32>} : memref<24x128xf32, #tpu.memory_space<vmem>>, vector<16xf32>,
    %swap3A_114 = arith.constant 2 : i32
    %swap3A_115 = arith.index_cast %swap3A_114 : i32 to index
    %swap3A_116 = arith.constant 64 : index
    %swap3A_117 = tpu.vector_load %arg16[%swap3A_115, %swap3A_116] {strides = array<i32>} : memref<24x128xf32, #tpu.memory_space<vmem>>, vector<16xf32>,
    tpu.vector_store %arg16[%swap3A_115, %swap3A_116], %broadcast_in_dim3A_34 {strides = array<i32>} : memref<24x128xf32, #tpu.memory_space<vmem>>, vector<16xf32>,
    %swap3A_118 = arith.constant 2 : i32
    %swap3A_119 = arith.index_cast %swap3A_118 : i32 to index
    %swap3A_120 = arith.constant 80 : index
    %swap3A_121 = tpu.vector_load %arg16[%swap3A_119, %swap3A_120] {strides = array<i32>} : memref<24x128xf32, #tpu.memory_space<vmem>>, vector<16xf32>,
    tpu.vector_store %arg16[%swap3A_119, %swap3A_120], %broadcast_in_dim3A_34 {strides = array<i32>} : memref<24x128xf32, #tpu.memory_space<vmem>>, vector<16xf32>,
    %swap3A_122 = arith.constant 2 : i32
    %swap3A_123 = arith.index_cast %swap3A_122 : i32 to index
    %swap3A_124 = arith.constant 96 : index
    %swap3A_125 = tpu.vector_load %arg16[%swap3A_123, %swap3A_124] {strides = array<i32>} : memref<24x128xf32, #tpu.memory_space<vmem>>, vector<16xf32>,
    tpu.vector_store %arg16[%swap3A_123, %swap3A_124], %broadcast_in_dim3A_34 {strides = array<i32>} : memref<24x128xf32, #tpu.memory_space<vmem>>, vector<16xf32>,
    %swap3A_126 = arith.constant 2 : i32
    %swap3A_127 = arith.index_cast %swap3A_126 : i32 to index
    %swap3A_128 = arith.constant 112 : index
    %swap3A_129 = tpu.vector_load %arg16[%swap3A_127, %swap3A_128] {strides = array<i32>} : memref<24x128xf32, #tpu.memory_space<vmem>>, vector<16xf32>,
    tpu.vector_store %arg16[%swap3A_127, %swap3A_128], %broadcast_in_dim3A_34 {strides = array<i32>} : memref<24x128xf32, #tpu.memory_space<vmem>>, vector<16xf32>,
    %swap3A_130 = arith.constant 3 : i32
    %swap3A_131 = arith.index_cast %swap3A_130 : i32 to index
    %swap3A_132 = arith.constant 0 : index
    %swap3A_133 = tpu.vector_load %arg16[%swap3A_131, %swap3A_132] {strides = array<i32>} : memref<24x128xf32, #tpu.memory_space<vmem>>, vector<16xf32>,
    tpu.vector_store %arg16[%swap3A_131, %swap3A_132], %broadcast_in_dim3A_34 {strides = array<i32>} : memref<24x128xf32, #tpu.memory_space<vmem>>, vector<16xf32>,
    %swap3A_134 = arith.constant 3 : i32
    %swap3A_135 = arith.index_cast %swap3A_134 : i32 to index
    %swap3A_136 = arith.constant 16 : index
    %swap3A_137 = tpu.vector_load %arg16[%swap3A_135, %swap3A_136] {strides = array<i32>} : memref<24x128xf32, #tpu.memory_space<vmem>>, vector<16xf32>,
    tpu.vector_store %arg16[%swap3A_135, %swap3A_136], %broadcast_in_dim3A_34 {strides = array<i32>} : memref<24x128xf32, #tpu.memory_space<vmem>>, vector<16xf32>,
    %swap3A_138 = arith.constant 3 : i32
    %swap3A_139 = arith.index_cast %swap3A_138 : i32 to index
    %swap3A_140 = arith.constant 32 : index
    %swap3A_141 = tpu.vector_load %arg16[%swap3A_139, %swap3A_140] {strides = array<i32>} : memref<24x128xf32, #tpu.memory_space<vmem>>, vector<16xf32>,
    tpu.vector_store %arg16[%swap3A_139, %swap3A_140], %broadcast_in_dim3A_34 {strides = array<i32>} : memref<24x128xf32, #tpu.memory_space<vmem>>, vector<16xf32>,
    %swap3A_142 = arith.constant 3 : i32
    %swap3A_143 = arith.index_cast %swap3A_142 : i32 to index
    %swap3A_144 = arith.constant 48 : index
    %swap3A_145 = tpu.vector_load %arg16[%swap3A_143, %swap3A_144] {strides = array<i32>} : memref<24x128xf32, #tpu.memory_space<vmem>>, vector<16xf32>,
    tpu.vector_store %arg16[%swap3A_143, %swap3A_144], %broadcast_in_dim3A_34 {strides = array<i32>} : memref<24x128xf32, #tpu.memory_space<vmem>>, vector<16xf32>,
    %swap3A_146 = arith.constant 3 : i32
    %swap3A_147 = arith.index_cast %swap3A_146 : i32 to index
    %swap3A_148 = arith.constant 64 : index
    %swap3A_149 = tpu.vector_load %arg16[%swap3A_147, %swap3A_148] {strides = array<i32>} : memref<24x128xf32, #tpu.memory_space<vmem>>, vector<16xf32>,
    tpu.vector_store %arg16[%swap3A_147, %swap3A_148], %broadcast_in_dim3A_34 {strides = array<i32>} : memref<24x128xf32, #tpu.memory_space<vmem>>, vector<16xf32>,
    %swap3A_150 = arith.constant 3 : i32
    %swap3A_151 = arith.index_cast %swap3A_150 : i32 to index
    %swap3A_152 = arith.constant 80 : index
    %swap3A_153 = tpu.vector_load %arg16[%swap3A_151, %swap3A_152] {strides = array<i32>} : memref<24x128xf32, #tpu.memory_space<vmem>>, vector<16xf32>,
    tpu.vector_store %arg16[%swap3A_151, %swap3A_152], %broadcast_in_dim3A_34 {strides = array<i32>} : memref<24x128xf32, #tpu.memory_space<vmem>>, vector<16xf32>,
    %swap3A_154 = arith.constant 3 : i32
    %swap3A_155 = arith.index_cast %swap3A_154 : i32 to index
    %swap3A_156 = arith.constant 96 : index
    %swap3A_157 = tpu.vector_load %arg16[%swap3A_155, %swap3A_156] {strides = array<i32>} : memref<24x128xf32, #tpu.memory_space<vmem>>, vector<16xf32>,
    tpu.vector_store %arg16[%swap3A_155, %swap3A_156], %broadcast_in_dim3A_34 {strides = array<i32>} : memref<24x128xf32, #tpu.memory_space<vmem>>, vector<16xf32>,
    %swap3A_158 = arith.constant 3 : i32
    %swap3A_159 = arith.index_cast %swap3A_158 : i32 to index
    %swap3A_160 = arith.constant 112 : index
    %swap3A_161 = tpu.vector_load %arg16[%swap3A_159, %swap3A_160] {strides = array<i32>} : memref<24x128xf32, #tpu.memory_space<vmem>>, vector<16xf32>,
    tpu.vector_store %arg16[%swap3A_159, %swap3A_160], %broadcast_in_dim3A_34 {strides = array<i32>} : memref<24x128xf32, #tpu.memory_space<vmem>>, vector<16xf32>,
    %swap3A_162 = arith.constant 4 : i32
    %swap3A_163 = arith.index_cast %swap3A_162 : i32 to index
    %swap3A_164 = arith.constant 0 : index
    %swap3A_165 = tpu.vector_load %arg16[%swap3A_163, %swap3A_164] {strides = array<i32>} : memref<24x128xf32, #tpu.memory_space<vmem>>, vector<16xf32>,
    tpu.vector_store %arg16[%swap3A_163, %swap3A_164], %broadcast_in_dim3A_34 {strides = array<i32>} : memref<24x128xf32, #tpu.memory_space<vmem>>, vector<16xf32>,
    %swap3A_166 = arith.constant 4 : i32
    %swap3A_167 = arith.index_cast %swap3A_166 : i32 to index
    %swap3A_168 = arith.constant 16 : index
    %swap3A_169 = tpu.vector_load %arg16[%swap3A_167, %swap3A_168] {strides = array<i32>} : memref<24x128xf32, #tpu.memory_space<vmem>>, vector<16xf32>,
    tpu.vector_store %arg16[%swap3A_167, %swap3A_168], %broadcast_in_dim3A_34 {strides = array<i32>} : memref<24x128xf32, #tpu.memory_space<vmem>>, vector<16xf32>,
    %swap3A_170 = arith.constant 4 : i32
    %swap3A_171 = arith.index_cast %swap3A_170 : i32 to index
    %swap3A_172 = arith.constant 32 : index
    %swap3A_173 = tpu.vector_load %arg16[%swap3A_171, %swap3A_172] {strides = array<i32>} : memref<24x128xf32, #tpu.memory_space<vmem>>, vector<16xf32>,
    tpu.vector_store %arg16[%swap3A_171, %swap3A_172], %broadcast_in_dim3A_34 {strides = array<i32>} : memref<24x128xf32, #tpu.memory_space<vmem>>, vector<16xf32>,
    %swap3A_174 = arith.constant 4 : i32
    %swap3A_175 = arith.index_cast %swap3A_174 : i32 to index
    %swap3A_176 = arith.constant 48 : index
    %swap3A_177 = tpu.vector_load %arg16[%swap3A_175, %swap3A_176] {strides = array<i32>} : memref<24x128xf32, #tpu.memory_space<vmem>>, vector<16xf32>,
    tpu.vector_store %arg16[%swap3A_175, %swap3A_176], %broadcast_in_dim3A_34 {strides = array<i32>} : memref<24x128xf32, #tpu.memory_space<vmem>>, vector<16xf32>,
    %swap3A_178 = arith.constant 4 : i32
    %swap3A_179 = arith.index_cast %swap3A_178 : i32 to index
    %swap3A_180 = arith.constant 64 : index
    %swap3A_181 = tpu.vector_load %arg16[%swap3A_179, %swap3A_180] {strides = array<i32>} : memref<24x128xf32, #tpu.memory_space<vmem>>, vector<16xf32>,
    tpu.vector_store %arg16[%swap3A_179, %swap3A_180], %broadcast_in_dim3A_34 {strides = array<i32>} : memref<24x128xf32, #tpu.memory_space<vmem>>, vector<16xf32>,
    %swap3A_182 = arith.constant 4 : i32
    %swap3A_183 = arith.index_cast %swap3A_182 : i32 to index
    %swap3A_184 = arith.constant 80 : index
    %swap3A_185 = tpu.vector_load %arg16[%swap3A_183, %swap3A_184] {strides = array<i32>} : memref<24x128xf32, #tpu.memory_space<vmem>>, vector<16xf32>,
    tpu.vector_store %arg16[%swap3A_183, %swap3A_184], %broadcast_in_dim3A_34 {strides = array<i32>} : memref<24x128xf32, #tpu.memory_space<vmem>>, vector<16xf32>,
    %swap3A_186 = arith.constant 4 : i32
    %swap3A_187 = arith.index_cast %swap3A_186 : i32 to index
    %swap3A_188 = arith.constant 96 : index
    %swap3A_189 = tpu.vector_load %arg16[%swap3A_187, %swap3A_188] {strides = array<i32>} : memref<24x128xf32, #tpu.memory_space<vmem>>, vector<16xf32>,
    tpu.vector_store %arg16[%swap3A_187, %swap3A_188], %broadcast_in_dim3A_34 {strides = array<i32>} : memref<24x128xf32, #tpu.memory_space<vmem>>, vector<16xf32>,
    %swap3A_190 = arith.constant 4 : i32
    %swap3A_191 = arith.index_cast %swap3A_190 : i32 to index
    %swap3A_192 = arith.constant 112 : index
    %swap3A_193 = tpu.vector_load %arg16[%swap3A_191, %swap3A_192] {strides = array<i32>} : memref<24x128xf32, #tpu.memory_space<vmem>>, vector<16xf32>,
    tpu.vector_store %arg16[%swap3A_191, %swap3A_192], %broadcast_in_dim3A_34 {strides = array<i32>} : memref<24x128xf32, #tpu.memory_space<vmem>>, vector<16xf32>,
    %swap3A_194 = arith.constant 5 : i32
    %swap3A_195 = arith.index_cast %swap3A_194 : i32 to index
    %swap3A_196 = arith.constant 0 : index
    %swap3A_197 = tpu.vector_load %arg16[%swap3A_195, %swap3A_196] {strides = array<i32>} : memref<24x128xf32, #tpu.memory_space<vmem>>, vector<16xf32>,
    tpu.vector_store %arg16[%swap3A_195, %swap3A_196], %broadcast_in_dim3A_34 {strides = array<i32>} : memref<24x128xf32, #tpu.memory_space<vmem>>, vector<16xf32>,
    %swap3A_198 = arith.constant 5 : i32
    %swap3A_199 = arith.index_cast %swap3A_198 : i32 to index
    %swap3A_200 = arith.constant 16 : index
    %swap3A_201 = tpu.vector_load %arg16[%swap3A_199, %swap3A_200] {strides = array<i32>} : memref<24x128xf32, #tpu.memory_space<vmem>>, vector<16xf32>,
    tpu.vector_store %arg16[%swap3A_199, %swap3A_200], %broadcast_in_dim3A_34 {strides = array<i32>} : memref<24x128xf32, #tpu.memory_space<vmem>>, vector<16xf32>,
    %swap3A_202 = arith.constant 5 : i32
    %swap3A_203 = arith.index_cast %swap3A_202 : i32 to index
    %swap3A_204 = arith.constant 32 : index
    %swap3A_205 = tpu.vector_load %arg16[%swap3A_203, %swap3A_204] {strides = array<i32>} : memref<24x128xf32, #tpu.memory_space<vmem>>, vector<16xf32>,
    tpu.vector_store %arg16[%swap3A_203, %swap3A_204], %broadcast_in_dim3A_34 {strides = array<i32>} : memref<24x128xf32, #tpu.memory_space<vmem>>, vector<16xf32>,
    %swap3A_206 = arith.constant 5 : i32
    %swap3A_207 = arith.index_cast %swap3A_206 : i32 to index
    %swap3A_208 = arith.constant 48 : index
    %swap3A_209 = tpu.vector_load %arg16[%swap3A_207, %swap3A_208] {strides = array<i32>} : memref<24x128xf32, #tpu.memory_space<vmem>>, vector<16xf32>,
    tpu.vector_store %arg16[%swap3A_207, %swap3A_208], %broadcast_in_dim3A_34 {strides = array<i32>} : memref<24x128xf32, #tpu.memory_space<vmem>>, vector<16xf32>,
    %swap3A_210 = arith.constant 5 : i32
    %swap3A_211 = arith.index_cast %swap3A_210 : i32 to index
    %swap3A_212 = arith.constant 64 : index
    %swap3A_213 = tpu.vector_load %arg16[%swap3A_211, %swap3A_212] {strides = array<i32>} : memref<24x128xf32, #tpu.memory_space<vmem>>, vector<16xf32>,
    tpu.vector_store %arg16[%swap3A_211, %swap3A_212], %broadcast_in_dim3A_34 {strides = array<i32>} : memref<24x128xf32, #tpu.memory_space<vmem>>, vector<16xf32>,
    %swap3A_214 = arith.constant 5 : i32
    %swap3A_215 = arith.index_cast %swap3A_214 : i32 to index
    %swap3A_216 = arith.constant 80 : index
    %swap3A_217 = tpu.vector_load %arg16[%swap3A_215, %swap3A_216] {strides = array<i32>} : memref<24x128xf32, #tpu.memory_space<vmem>>, vector<16xf32>,
    tpu.vector_store %arg16[%swap3A_215, %swap3A_216], %broadcast_in_dim3A_34 {strides = array<i32>} : memref<24x128xf32, #tpu.memory_space<vmem>>, vector<16xf32>,
    %swap3A_218 = arith.constant 5 : i32
    %swap3A_219 = arith.index_cast %swap3A_218 : i32 to index
    %swap3A_220 = arith.constant 96 : index
    %swap3A_221 = tpu.vector_load %arg16[%swap3A_219, %swap3A_220] {strides = array<i32>} : memref<24x128xf32, #tpu.memory_space<vmem>>, vector<16xf32>,
    tpu.vector_store %arg16[%swap3A_219, %swap3A_220], %broadcast_in_dim3A_34 {strides = array<i32>} : memref<24x128xf32, #tpu.memory_space<vmem>>, vector<16xf32>,
    %swap3A_222 = arith.constant 5 : i32
    %swap3A_223 = arith.index_cast %swap3A_222 : i32 to index
    %swap3A_224 = arith.constant 112 : index
    %swap3A_225 = tpu.vector_load %arg16[%swap3A_223, %swap3A_224] {strides = array<i32>} : memref<24x128xf32, #tpu.memory_space<vmem>>, vector<16xf32>,
    tpu.vector_store %arg16[%swap3A_223, %swap3A_224], %broadcast_in_dim3A_34 {strides = array<i32>} : memref<24x128xf32, #tpu.memory_space<vmem>>, vector<16xf32>,
    %swap3A_226 = arith.constant 6 : i32
    %swap3A_227 = arith.index_cast %swap3A_226 : i32 to index
    %swap3A_228 = arith.constant 0 : index
    %swap3A_229 = tpu.vector_load %arg16[%swap3A_227, %swap3A_228] {strides = array<i32>} : memref<24x128xf32, #tpu.memory_space<vmem>>, vector<16xf32>,
    tpu.vector_store %arg16[%swap3A_227, %swap3A_228], %broadcast_in_dim3A_34 {strides = array<i32>} : memref<24x128xf32, #tpu.memory_space<vmem>>, vector<16xf32>,
    %swap3A_230 = arith.constant 6 : i32
    %swap3A_231 = arith.index_cast %swap3A_230 : i32 to index
    %swap3A_232 = arith.constant 16 : index
    %swap3A_233 = tpu.vector_load %arg16[%swap3A_231, %swap3A_232] {strides = array<i32>} : memref<24x128xf32, #tpu.memory_space<vmem>>, vector<16xf32>,
    tpu.vector_store %arg16[%swap3A_231, %swap3A_232], %broadcast_in_dim3A_34 {strides = array<i32>} : memref<24x128xf32, #tpu.memory_space<vmem>>, vector<16xf32>,
    %swap3A_234 = arith.constant 6 : i32
    %swap3A_235 = arith.index_cast %swap3A_234 : i32 to index
    %swap3A_236 = arith.constant 32 : index
    %swap3A_237 = tpu.vector_load %arg16[%swap3A_235, %swap3A_236] {strides = array<i32>} : memref<24x128xf32, #tpu.memory_space<vmem>>, vector<16xf32>,
    tpu.vector_store %arg16[%swap3A_235, %swap3A_236], %broadcast_in_dim3A_34 {strides = array<i32>} : memref<24x128xf32, #tpu.memory_space<vmem>>, vector<16xf32>,
    %swap3A_238 = arith.constant 6 : i32
    %swap3A_239 = arith.index_cast %swap3A_238 : i32 to index
    %swap3A_240 = arith.constant 48 : index
    %swap3A_241 = tpu.vector_load %arg16[%swap3A_239, %swap3A_240] {strides = array<i32>} : memref<24x128xf32, #tpu.memory_space<vmem>>, vector<16xf32>,
    tpu.vector_store %arg16[%swap3A_239, %swap3A_240], %broadcast_in_dim3A_34 {strides = array<i32>} : memref<24x128xf32, #tpu.memory_space<vmem>>, vector<16xf32>,
    %swap3A_242 = arith.constant 6 : i32
    %swap3A_243 = arith.index_cast %swap3A_242 : i32 to index
    %swap3A_244 = arith.constant 64 : index
    %swap3A_245 = tpu.vector_load %arg16[%swap3A_243, %swap3A_244] {strides = array<i32>} : memref<24x128xf32, #tpu.memory_space<vmem>>, vector<16xf32>,
    tpu.vector_store %arg16[%swap3A_243, %swap3A_244], %broadcast_in_dim3A_34 {strides = array<i32>} : memref<24x128xf32, #tpu.memory_space<vmem>>, vector<16xf32>,
    %swap3A_246 = arith.constant 6 : i32
    %swap3A_247 = arith.index_cast %swap3A_246 : i32 to index
    %swap3A_248 = arith.constant 80 : index
    %swap3A_249 = tpu.vector_load %arg16[%swap3A_247, %swap3A_248] {strides = array<i32>} : memref<24x128xf32, #tpu.memory_space<vmem>>, vector<16xf32>,
    tpu.vector_store %arg16[%swap3A_247, %swap3A_248], %broadcast_in_dim3A_34 {strides = array<i32>} : memref<24x128xf32, #tpu.memory_space<vmem>>, vector<16xf32>,
    %swap3A_250 = arith.constant 6 : i32
    %swap3A_251 = arith.index_cast %swap3A_250 : i32 to index
    %swap3A_252 = arith.constant 96 : index
    %swap3A_253 = tpu.vector_load %arg16[%swap3A_251, %swap3A_252] {strides = array<i32>} : memref<24x128xf32, #tpu.memory_space<vmem>>, vector<16xf32>,
    tpu.vector_store %arg16[%swap3A_251, %swap3A_252], %broadcast_in_dim3A_34 {strides = array<i32>} : memref<24x128xf32, #tpu.memory_space<vmem>>, vector<16xf32>,
    %swap3A_254 = arith.constant 6 : i32
    %swap3A_255 = arith.index_cast %swap3A_254 : i32 to index
    %swap3A_256 = arith.constant 112 : index
    %swap3A_257 = tpu.vector_load %arg16[%swap3A_255, %swap3A_256] {strides = array<i32>} : memref<24x128xf32, #tpu.memory_space<vmem>>, vector<16xf32>,
    tpu.vector_store %arg16[%swap3A_255, %swap3A_256], %broadcast_in_dim3A_34 {strides = array<i32>} : memref<24x128xf32, #tpu.memory_space<vmem>>, vector<16xf32>,
    %swap3A_258 = arith.constant 7 : i32
    %swap3A_259 = arith.index_cast %swap3A_258 : i32 to index
    %swap3A_260 = arith.constant 0 : index
    %swap3A_261 = tpu.vector_load %arg16[%swap3A_259, %swap3A_260] {strides = array<i32>} : memref<24x128xf32, #tpu.memory_space<vmem>>, vector<16xf32>,
    tpu.vector_store %arg16[%swap3A_259, %swap3A_260], %broadcast_in_dim3A_34 {strides = array<i32>} : memref<24x128xf32, #tpu.memory_space<vmem>>, vector<16xf32>,
    %swap3A_262 = arith.constant 7 : i32
    %swap3A_263 = arith.index_cast %swap3A_262 : i32 to index
    %swap3A_264 = arith.constant 16 : index
    %swap3A_265 = tpu.vector_load %arg16[%swap3A_263, %swap3A_264] {strides = array<i32>} : memref<24x128xf32, #tpu.memory_space<vmem>>, vector<16xf32>,
    tpu.vector_store %arg16[%swap3A_263, %swap3A_264], %broadcast_in_dim3A_34 {strides = array<i32>} : memref<24x128xf32, #tpu.memory_space<vmem>>, vector<16xf32>,
    %swap3A_266 = arith.constant 7 : i32
    %swap3A_267 = arith.index_cast %swap3A_266 : i32 to index
    %swap3A_268 = arith.constant 32 : index
    %swap3A_269 = tpu.vector_load %arg16[%swap3A_267, %swap3A_268] {strides = array<i32>} : memref<24x128xf32, #tpu.memory_space<vmem>>, vector<16xf32>,
    tpu.vector_store %arg16[%swap3A_267, %swap3A_268], %broadcast_in_dim3A_34 {strides = array<i32>} : memref<24x128xf32, #tpu.memory_space<vmem>>, vector<16xf32>,
    %swap3A_270 = arith.constant 7 : i32
    %swap3A_271 = arith.index_cast %swap3A_270 : i32 to index
    %swap3A_272 = arith.constant 48 : index
    %swap3A_273 = tpu.vector_load %arg16[%swap3A_271, %swap3A_272] {strides = array<i32>} : memref<24x128xf32, #tpu.memory_space<vmem>>, vector<16xf32>,
    tpu.vector_store %arg16[%swap3A_271, %swap3A_272], %broadcast_in_dim3A_34 {strides = array<i32>} : memref<24x128xf32, #tpu.memory_space<vmem>>, vector<16xf32>,
    %swap3A_274 = arith.constant 7 : i32
    %swap3A_275 = arith.index_cast %swap3A_274 : i32 to index
    %swap3A_276 = arith.constant 64 : index
    %swap3A_277 = tpu.vector_load %arg16[%swap3A_275, %swap3A_276] {strides = array<i32>} : memref<24x128xf32, #tpu.memory_space<vmem>>, vector<16xf32>,
    tpu.vector_store %arg16[%swap3A_275, %swap3A_276], %broadcast_in_dim3A_34 {strides = array<i32>} : memref<24x128xf32, #tpu.memory_space<vmem>>, vector<16xf32>,
    %swap3A_278 = arith.constant 7 : i32
    %swap3A_279 = arith.index_cast %swap3A_278 : i32 to index
    %swap3A_280 = arith.constant 80 : index
    %swap3A_281 = tpu.vector_load %arg16[%swap3A_279, %swap3A_280] {strides = array<i32>} : memref<24x128xf32, #tpu.memory_space<vmem>>, vector<16xf32>,
    tpu.vector_store %arg16[%swap3A_279, %swap3A_280], %broadcast_in_dim3A_34 {strides = array<i32>} : memref<24x128xf32, #tpu.memory_space<vmem>>, vector<16xf32>,
    %swap3A_282 = arith.constant 7 : i32
    %swap3A_283 = arith.index_cast %swap3A_282 : i32 to index
    %swap3A_284 = arith.constant 96 : index
    %swap3A_285 = tpu.vector_load %arg16[%swap3A_283, %swap3A_284] {strides = array<i32>} : memref<24x128xf32, #tpu.memory_space<vmem>>, vector<16xf32>,
    tpu.vector_store %arg16[%swap3A_283, %swap3A_284], %broadcast_in_dim3A_34 {strides = array<i32>} : memref<24x128xf32, #tpu.memory_space<vmem>>, vector<16xf32>,
    %swap3A_286 = arith.constant 7 : i32
    %swap3A_287 = arith.index_cast %swap3A_286 : i32 to index
    %swap3A_288 = arith.constant 112 : index
    %swap3A_289 = tpu.vector_load %arg16[%swap3A_287, %swap3A_288] {strides = array<i32>} : memref<24x128xf32, #tpu.memory_space<vmem>>, vector<16xf32>,
    tpu.vector_store %arg16[%swap3A_287, %swap3A_288], %broadcast_in_dim3A_34 {strides = array<i32>} : memref<24x128xf32, #tpu.memory_space<vmem>>, vector<16xf32>,
    %swap3A_290 = arith.constant 8 : i32
    %swap3A_291 = arith.index_cast %swap3A_290 : i32 to index
    %swap3A_292 = arith.constant 0 : index
    %swap3A_293 = tpu.vector_load %arg16[%swap3A_291, %swap3A_292] {strides = array<i32>} : memref<24x128xf32, #tpu.memory_space<vmem>>, vector<16xf32>,
    tpu.vector_store %arg16[%swap3A_291, %swap3A_292], %broadcast_in_dim3A_34 {strides = array<i32>} : memref<24x128xf32, #tpu.memory_space<vmem>>, vector<16xf32>,
    %swap3A_294 = arith.constant 8 : i32
    %swap3A_295 = arith.index_cast %swap3A_294 : i32 to index
    %swap3A_296 = arith.constant 16 : index
    %swap3A_297 = tpu.vector_load %arg16[%swap3A_295, %swap3A_296] {strides = array<i32>} : memref<24x128xf32, #tpu.memory_space<vmem>>, vector<16xf32>,
    tpu.vector_store %arg16[%swap3A_295, %swap3A_296], %broadcast_in_dim3A_34 {strides = array<i32>} : memref<24x128xf32, #tpu.memory_space<vmem>>, vector<16xf32>,
    %swap3A_298 = arith.constant 8 : i32
    %swap3A_299 = arith.index_cast %swap3A_298 : i32 to index
    %swap3A_300 = arith.constant 32 : index
    %swap3A_301 = tpu.vector_load %arg16[%swap3A_299, %swap3A_300] {strides = array<i32>} : memref<24x128xf32, #tpu.memory_space<vmem>>, vector<16xf32>,
    tpu.vector_store %arg16[%swap3A_299, %swap3A_300], %broadcast_in_dim3A_34 {strides = array<i32>} : memref<24x128xf32, #tpu.memory_space<vmem>>, vector<16xf32>,
    %swap3A_302 = arith.constant 8 : i32
    %swap3A_303 = arith.index_cast %swap3A_302 : i32 to index
    %swap3A_304 = arith.constant 48 : index
    %swap3A_305 = tpu.vector_load %arg16[%swap3A_303, %swap3A_304] {strides = array<i32>} : memref<24x128xf32, #tpu.memory_space<vmem>>, vector<16xf32>,
    tpu.vector_store %arg16[%swap3A_303, %swap3A_304], %broadcast_in_dim3A_34 {strides = array<i32>} : memref<24x128xf32, #tpu.memory_space<vmem>>, vector<16xf32>,
    %swap3A_306 = arith.constant 8 : i32
    %swap3A_307 = arith.index_cast %swap3A_306 : i32 to index
    %swap3A_308 = arith.constant 64 : index
    %swap3A_309 = tpu.vector_load %arg16[%swap3A_307, %swap3A_308] {strides = array<i32>} : memref<24x128xf32, #tpu.memory_space<vmem>>, vector<16xf32>,
    tpu.vector_store %arg16[%swap3A_307, %swap3A_308], %broadcast_in_dim3A_34 {strides = array<i32>} : memref<24x128xf32, #tpu.memory_space<vmem>>, vector<16xf32>,
    %swap3A_310 = arith.constant 8 : i32
    %swap3A_311 = arith.index_cast %swap3A_310 : i32 to index
    %swap3A_312 = arith.constant 80 : index
    %swap3A_313 = tpu.vector_load %arg16[%swap3A_311, %swap3A_312] {strides = array<i32>} : memref<24x128xf32, #tpu.memory_space<vmem>>, vector<16xf32>,
    tpu.vector_store %arg16[%swap3A_311, %swap3A_312], %broadcast_in_dim3A_34 {strides = array<i32>} : memref<24x128xf32, #tpu.memory_space<vmem>>, vector<16xf32>,
    %swap3A_314 = arith.constant 8 : i32
    %swap3A_315 = arith.index_cast %swap3A_314 : i32 to index
    %swap3A_316 = arith.constant 96 : index
    %swap3A_317 = tpu.vector_load %arg16[%swap3A_315, %swap3A_316] {strides = array<i32>} : memref<24x128xf32, #tpu.memory_space<vmem>>, vector<16xf32>,
    tpu.vector_store %arg16[%swap3A_315, %swap3A_316], %broadcast_in_dim3A_34 {strides = array<i32>} : memref<24x128xf32, #tpu.memory_space<vmem>>, vector<16xf32>,
    %swap3A_318 = arith.constant 8 : i32
    %swap3A_319 = arith.index_cast %swap3A_318 : i32 to index
    %swap3A_320 = arith.constant 112 : index
    %swap3A_321 = tpu.vector_load %arg16[%swap3A_319, %swap3A_320] {strides = array<i32>} : memref<24x128xf32, #tpu.memory_space<vmem>>, vector<16xf32>,
    tpu.vector_store %arg16[%swap3A_319, %swap3A_320], %broadcast_in_dim3A_34 {strides = array<i32>} : memref<24x128xf32, #tpu.memory_space<vmem>>, vector<16xf32>,
    %swap3A_322 = arith.constant 9 : i32
    %swap3A_323 = arith.index_cast %swap3A_322 : i32 to index
    %swap3A_324 = arith.constant 0 : index
    %swap3A_325 = tpu.vector_load %arg16[%swap3A_323, %swap3A_324] {strides = array<i32>} : memref<24x128xf32, #tpu.memory_space<vmem>>, vector<16xf32>,
    tpu.vector_store %arg16[%swap3A_323, %swap3A_324], %broadcast_in_dim3A_34 {strides = array<i32>} : memref<24x128xf32, #tpu.memory_space<vmem>>, vector<16xf32>,
    %swap3A_326 = arith.constant 9 : i32
    %swap3A_327 = arith.index_cast %swap3A_326 : i32 to index
    %swap3A_328 = arith.constant 16 : index
    %swap3A_329 = tpu.vector_load %arg16[%swap3A_327, %swap3A_328] {strides = array<i32>} : memref<24x128xf32, #tpu.memory_space<vmem>>, vector<16xf32>,
    tpu.vector_store %arg16[%swap3A_327, %swap3A_328], %broadcast_in_dim3A_34 {strides = array<i32>} : memref<24x128xf32, #tpu.memory_space<vmem>>, vector<16xf32>,
    %swap3A_330 = arith.constant 9 : i32
    %swap3A_331 = arith.index_cast %swap3A_330 : i32 to index
    %swap3A_332 = arith.constant 32 : index
    %swap3A_333 = tpu.vector_load %arg16[%swap3A_331, %swap3A_332] {strides = array<i32>} : memref<24x128xf32, #tpu.memory_space<vmem>>, vector<16xf32>,
    tpu.vector_store %arg16[%swap3A_331, %swap3A_332], %broadcast_in_dim3A_34 {strides = array<i32>} : memref<24x128xf32, #tpu.memory_space<vmem>>, vector<16xf32>,
    %swap3A_334 = arith.constant 9 : i32
    %swap3A_335 = arith.index_cast %swap3A_334 : i32 to index
    %swap3A_336 = arith.constant 48 : index
    %swap3A_337 = tpu.vector_load %arg16[%swap3A_335, %swap3A_336] {strides = array<i32>} : memref<24x128xf32, #tpu.memory_space<vmem>>, vector<16xf32>,
    tpu.vector_store %arg16[%swap3A_335, %swap3A_336], %broadcast_in_dim3A_34 {strides = array<i32>} : memref<24x128xf32, #tpu.memory_space<vmem>>, vector<16xf32>,
    %swap3A_338 = arith.constant 9 : i32
    %swap3A_339 = arith.index_cast %swap3A_338 : i32 to index
    %swap3A_340 = arith.constant 64 : index
    %swap3A_341 = tpu.vector_load %arg16[%swap3A_339, %swap3A_340] {strides = array<i32>} : memref<24x128xf32, #tpu.memory_space<vmem>>, vector<16xf32>,
    tpu.vector_store %arg16[%swap3A_339, %swap3A_340], %broadcast_in_dim3A_34 {strides = array<i32>} : memref<24x128xf32, #tpu.memory_space<vmem>>, vector<16xf32>,
    %swap3A_342 = arith.constant 9 : i32
    %swap3A_343 = arith.index_cast %swap3A_342 : i32 to index
    %swap3A_344 = arith.constant 80 : index
    %swap3A_345 = tpu.vector_load %arg16[%swap3A_343, %swap3A_344] {strides = array<i32>} : memref<24x128xf32, #tpu.memory_space<vmem>>, vector<16xf32>,
    tpu.vector_store %arg16[%swap3A_343, %swap3A_344], %broadcast_in_dim3A_34 {strides = array<i32>} : memref<24x128xf32, #tpu.memory_space<vmem>>, vector<16xf32>,
    %swap3A_346 = arith.constant 9 : i32
    %swap3A_347 = arith.index_cast %swap3A_346 : i32 to index
    %swap3A_348 = arith.constant 96 : index
    %swap3A_349 = tpu.vector_load %arg16[%swap3A_347, %swap3A_348] {strides = array<i32>} : memref<24x128xf32, #tpu.memory_space<vmem>>, vector<16xf32>,
    tpu.vector_store %arg16[%swap3A_347, %swap3A_348], %broadcast_in_dim3A_34 {strides = array<i32>} : memref<24x128xf32, #tpu.memory_space<vmem>>, vector<16xf32>,
    %swap3A_350 = arith.constant 9 : i32
    %swap3A_351 = arith.index_cast %swap3A_350 : i32 to index
    %swap3A_352 = arith.constant 112 : index
    %swap3A_353 = tpu.vector_load %arg16[%swap3A_351, %swap3A_352] {strides = array<i32>} : memref<24x128xf32, #tpu.memory_space<vmem>>, vector<16xf32>,
    tpu.vector_store %arg16[%swap3A_351, %swap3A_352], %broadcast_in_dim3A_34 {strides = array<i32>} : memref<24x128xf32, #tpu.memory_space<vmem>>, vector<16xf32>,
    %swap3A_354 = arith.constant 10 : i32
    %swap3A_355 = arith.index_cast %swap3A_354 : i32 to index
    %swap3A_356 = arith.constant 0 : index
    %swap3A_357 = tpu.vector_load %arg16[%swap3A_355, %swap3A_356] {strides = array<i32>} : memref<24x128xf32, #tpu.memory_space<vmem>>, vector<16xf32>,
    tpu.vector_store %arg16[%swap3A_355, %swap3A_356], %broadcast_in_dim3A_34 {strides = array<i32>} : memref<24x128xf32, #tpu.memory_space<vmem>>, vector<16xf32>,
    %swap3A_358 = arith.constant 10 : i32
    %swap3A_359 = arith.index_cast %swap3A_358 : i32 to index
    %swap3A_360 = arith.constant 16 : index
    %swap3A_361 = tpu.vector_load %arg16[%swap3A_359, %swap3A_360] {strides = array<i32>} : memref<24x128xf32, #tpu.memory_space<vmem>>, vector<16xf32>,
    tpu.vector_store %arg16[%swap3A_359, %swap3A_360], %broadcast_in_dim3A_34 {strides = array<i32>} : memref<24x128xf32, #tpu.memory_space<vmem>>, vector<16xf32>,
    %swap3A_362 = arith.constant 10 : i32
    %swap3A_363 = arith.index_cast %swap3A_362 : i32 to index
    %swap3A_364 = arith.constant 32 : index
    %swap3A_365 = tpu.vector_load %arg16[%swap3A_363, %swap3A_364] {strides = array<i32>} : memref<24x128xf32, #tpu.memory_space<vmem>>, vector<16xf32>,
    tpu.vector_store %arg16[%swap3A_363, %swap3A_364], %broadcast_in_dim3A_34 {strides = array<i32>} : memref<24x128xf32, #tpu.memory_space<vmem>>, vector<16xf32>,
    %swap3A_366 = arith.constant 10 : i32
    %swap3A_367 = arith.index_cast %swap3A_366 : i32 to index
    %swap3A_368 = arith.constant 48 : index
    %swap3A_369 = tpu.vector_load %arg16[%swap3A_367, %swap3A_368] {strides = array<i32>} : memref<24x128xf32, #tpu.memory_space<vmem>>, vector<16xf32>,
    tpu.vector_store %arg16[%swap3A_367, %swap3A_368], %broadcast_in_dim3A_34 {strides = array<i32>} : memref<24x128xf32, #tpu.memory_space<vmem>>, vector<16xf32>,
    %swap3A_370 = arith.constant 10 : i32
    %swap3A_371 = arith.index_cast %swap3A_370 : i32 to index
    %swap3A_372 = arith.constant 64 : index
    %swap3A_373 = tpu.vector_load %arg16[%swap3A_371, %swap3A_372] {strides = array<i32>} : memref<24x128xf32, #tpu.memory_space<vmem>>, vector<16xf32>,
    tpu.vector_store %arg16[%swap3A_371, %swap3A_372], %broadcast_in_dim3A_34 {strides = array<i32>} : memref<24x128xf32, #tpu.memory_space<vmem>>, vector<16xf32>,
    %swap3A_374 = arith.constant 10 : i32
    %swap3A_375 = arith.index_cast %swap3A_374 : i32 to index
    %swap3A_376 = arith.constant 80 : index
    %swap3A_377 = tpu.vector_load %arg16[%swap3A_375, %swap3A_376] {strides = array<i32>} : memref<24x128xf32, #tpu.memory_space<vmem>>, vector<16xf32>,
    tpu.vector_store %arg16[%swap3A_375, %swap3A_376], %broadcast_in_dim3A_34 {strides = array<i32>} : memref<24x128xf32, #tpu.memory_space<vmem>>, vector<16xf32>,
    %swap3A_378 = arith.constant 10 : i32
    %swap3A_379 = arith.index_cast %swap3A_378 : i32 to index
    %swap3A_380 = arith.constant 96 : index
    %swap3A_381 = tpu.vector_load %arg16[%swap3A_379, %swap3A_380] {strides = array<i32>} : memref<24x128xf32, #tpu.memory_space<vmem>>, vector<16xf32>,
    tpu.vector_store %arg16[%swap3A_379, %swap3A_380], %broadcast_in_dim3A_34 {strides = array<i32>} : memref<24x128xf32, #tpu.memory_space<vmem>>, vector<16xf32>,
    %swap3A_382 = arith.constant 10 : i32
    %swap3A_383 = arith.index_cast %swap3A_382 : i32 to index
    %swap3A_384 = arith.constant 112 : index
    %swap3A_385 = tpu.vector_load %arg16[%swap3A_383, %swap3A_384] {strides = array<i32>} : memref<24x128xf32, #tpu.memory_space<vmem>>, vector<16xf32>,
    tpu.vector_store %arg16[%swap3A_383, %swap3A_384], %broadcast_in_dim3A_34 {strides = array<i32>} : memref<24x128xf32, #tpu.memory_space<vmem>>, vector<16xf32>,
    %swap3A_386 = arith.constant 11 : i32
    %swap3A_387 = arith.index_cast %swap3A_386 : i32 to index
    %swap3A_388 = arith.constant 0 : index
    %swap3A_389 = tpu.vector_load %arg16[%swap3A_387, %swap3A_388] {strides = array<i32>} : memref<24x128xf32, #tpu.memory_space<vmem>>, vector<16xf32>,
    tpu.vector_store %arg16[%swap3A_387, %swap3A_388], %broadcast_in_dim3A_34 {strides = array<i32>} : memref<24x128xf32, #tpu.memory_space<vmem>>, vector<16xf32>,
    %swap3A_390 = arith.constant 11 : i32
    %swap3A_391 = arith.index_cast %swap3A_390 : i32 to index
    %swap3A_392 = arith.constant 16 : index
    %swap3A_393 = tpu.vector_load %arg16[%swap3A_391, %swap3A_392] {strides = array<i32>} : memref<24x128xf32, #tpu.memory_space<vmem>>, vector<16xf32>,
    tpu.vector_store %arg16[%swap3A_391, %swap3A_392], %broadcast_in_dim3A_34 {strides = array<i32>} : memref<24x128xf32, #tpu.memory_space<vmem>>, vector<16xf32>,
    %swap3A_394 = arith.constant 11 : i32
    %swap3A_395 = arith.index_cast %swap3A_394 : i32 to index
    %swap3A_396 = arith.constant 32 : index
    %swap3A_397 = tpu.vector_load %arg16[%swap3A_395, %swap3A_396] {strides = array<i32>} : memref<24x128xf32, #tpu.memory_space<vmem>>, vector<16xf32>,
    tpu.vector_store %arg16[%swap3A_395, %swap3A_396], %broadcast_in_dim3A_34 {strides = array<i32>} : memref<24x128xf32, #tpu.memory_space<vmem>>, vector<16xf32>,
    %swap3A_398 = arith.constant 11 : i32
    %swap3A_399 = arith.index_cast %swap3A_398 : i32 to index
    %swap3A_400 = arith.constant 48 : index
    %swap3A_401 = tpu.vector_load %arg16[%swap3A_399, %swap3A_400] {strides = array<i32>} : memref<24x128xf32, #tpu.memory_space<vmem>>, vector<16xf32>,
    tpu.vector_store %arg16[%swap3A_399, %swap3A_400], %broadcast_in_dim3A_34 {strides = array<i32>} : memref<24x128xf32, #tpu.memory_space<vmem>>, vector<16xf32>,
    %swap3A_402 = arith.constant 11 : i32
    %swap3A_403 = arith.index_cast %swap3A_402 : i32 to index
    %swap3A_404 = arith.constant 64 : index
    %swap3A_405 = tpu.vector_load %arg16[%swap3A_403, %swap3A_404] {strides = array<i32>} : memref<24x128xf32, #tpu.memory_space<vmem>>, vector<16xf32>,
    tpu.vector_store %arg16[%swap3A_403, %swap3A_404], %broadcast_in_dim3A_34 {strides = array<i32>} : memref<24x128xf32, #tpu.memory_space<vmem>>, vector<16xf32>,
    %swap3A_406 = arith.constant 11 : i32
    %swap3A_407 = arith.index_cast %swap3A_406 : i32 to index
    %swap3A_408 = arith.constant 80 : index
    %swap3A_409 = tpu.vector_load %arg16[%swap3A_407, %swap3A_408] {strides = array<i32>} : memref<24x128xf32, #tpu.memory_space<vmem>>, vector<16xf32>,
    tpu.vector_store %arg16[%swap3A_407, %swap3A_408], %broadcast_in_dim3A_34 {strides = array<i32>} : memref<24x128xf32, #tpu.memory_space<vmem>>, vector<16xf32>,
    %swap3A_410 = arith.constant 11 : i32
    %swap3A_411 = arith.index_cast %swap3A_410 : i32 to index
    %swap3A_412 = arith.constant 96 : index
    %swap3A_413 = tpu.vector_load %arg16[%swap3A_411, %swap3A_412] {strides = array<i32>} : memref<24x128xf32, #tpu.memory_space<vmem>>, vector<16xf32>,
    tpu.vector_store %arg16[%swap3A_411, %swap3A_412], %broadcast_in_dim3A_34 {strides = array<i32>} : memref<24x128xf32, #tpu.memory_space<vmem>>, vector<16xf32>,
    %swap3A_414 = arith.constant 11 : i32
    %swap3A_415 = arith.index_cast %swap3A_414 : i32 to index
    %swap3A_416 = arith.constant 112 : index
    %swap3A_417 = tpu.vector_load %arg16[%swap3A_415, %swap3A_416] {strides = array<i32>} : memref<24x128xf32, #tpu.memory_space<vmem>>, vector<16xf32>,
    tpu.vector_store %arg16[%swap3A_415, %swap3A_416], %broadcast_in_dim3A_34 {strides = array<i32>} : memref<24x128xf32, #tpu.memory_space<vmem>>, vector<16xf32>,
    %swap3A_418 = arith.constant 12 : i32
    %swap3A_419 = arith.index_cast %swap3A_418 : i32 to index
    %swap3A_420 = arith.constant 0 : index
    %swap3A_421 = tpu.vector_load %arg16[%swap3A_419, %swap3A_420] {strides = array<i32>} : memref<24x128xf32, #tpu.memory_space<vmem>>, vector<16xf32>,
    tpu.vector_store %arg16[%swap3A_419, %swap3A_420], %broadcast_in_dim3A_34 {strides = array<i32>} : memref<24x128xf32, #tpu.memory_space<vmem>>, vector<16xf32>,
    %swap3A_422 = arith.constant 12 : i32
    %swap3A_423 = arith.index_cast %swap3A_422 : i32 to index
    %swap3A_424 = arith.constant 16 : index
    %swap3A_425 = tpu.vector_load %arg16[%swap3A_423, %swap3A_424] {strides = array<i32>} : memref<24x128xf32, #tpu.memory_space<vmem>>, vector<16xf32>,
    tpu.vector_store %arg16[%swap3A_423, %swap3A_424], %broadcast_in_dim3A_34 {strides = array<i32>} : memref<24x128xf32, #tpu.memory_space<vmem>>, vector<16xf32>,
    %swap3A_426 = arith.constant 12 : i32
    %swap3A_427 = arith.index_cast %swap3A_426 : i32 to index
    %swap3A_428 = arith.constant 32 : index
    %swap3A_429 = tpu.vector_load %arg16[%swap3A_427, %swap3A_428] {strides = array<i32>} : memref<24x128xf32, #tpu.memory_space<vmem>>, vector<16xf32>,
    tpu.vector_store %arg16[%swap3A_427, %swap3A_428], %broadcast_in_dim3A_34 {strides = array<i32>} : memref<24x128xf32, #tpu.memory_space<vmem>>, vector<16xf32>,
    %swap3A_430 = arith.constant 12 : i32
    %swap3A_431 = arith.index_cast %swap3A_430 : i32 to index
    %swap3A_432 = arith.constant 48 : index
    %swap3A_433 = tpu.vector_load %arg16[%swap3A_431, %swap3A_432] {strides = array<i32>} : memref<24x128xf32, #tpu.memory_space<vmem>>, vector<16xf32>,
    tpu.vector_store %arg16[%swap3A_431, %swap3A_432], %broadcast_in_dim3A_34 {strides = array<i32>} : memref<24x128xf32, #tpu.memory_space<vmem>>, vector<16xf32>,
    %swap3A_434 = arith.constant 12 : i32
    %swap3A_435 = arith.index_cast %swap3A_434 : i32 to index
    %swap3A_436 = arith.constant 64 : index
    %swap3A_437 = tpu.vector_load %arg16[%swap3A_435, %swap3A_436] {strides = array<i32>} : memref<24x128xf32, #tpu.memory_space<vmem>>, vector<16xf32>,
    tpu.vector_store %arg16[%swap3A_435, %swap3A_436], %broadcast_in_dim3A_34 {strides = array<i32>} : memref<24x128xf32, #tpu.memory_space<vmem>>, vector<16xf32>,
    %swap3A_438 = arith.constant 12 : i32
    %swap3A_439 = arith.index_cast %swap3A_438 : i32 to index
    %swap3A_440 = arith.constant 80 : index
    %swap3A_441 = tpu.vector_load %arg16[%swap3A_439, %swap3A_440] {strides = array<i32>} : memref<24x128xf32, #tpu.memory_space<vmem>>, vector<16xf32>,
    tpu.vector_store %arg16[%swap3A_439, %swap3A_440], %broadcast_in_dim3A_34 {strides = array<i32>} : memref<24x128xf32, #tpu.memory_space<vmem>>, vector<16xf32>,
    %swap3A_442 = arith.constant 12 : i32
    %swap3A_443 = arith.index_cast %swap3A_442 : i32 to index
    %swap3A_444 = arith.constant 96 : index
    %swap3A_445 = tpu.vector_load %arg16[%swap3A_443, %swap3A_444] {strides = array<i32>} : memref<24x128xf32, #tpu.memory_space<vmem>>, vector<16xf32>,
    tpu.vector_store %arg16[%swap3A_443, %swap3A_444], %broadcast_in_dim3A_34 {strides = array<i32>} : memref<24x128xf32, #tpu.memory_space<vmem>>, vector<16xf32>,
    %swap3A_446 = arith.constant 12 : i32
    %swap3A_447 = arith.index_cast %swap3A_446 : i32 to index
    %swap3A_448 = arith.constant 112 : index
    %swap3A_449 = tpu.vector_load %arg16[%swap3A_447, %swap3A_448] {strides = array<i32>} : memref<24x128xf32, #tpu.memory_space<vmem>>, vector<16xf32>,
    tpu.vector_store %arg16[%swap3A_447, %swap3A_448], %broadcast_in_dim3A_34 {strides = array<i32>} : memref<24x128xf32, #tpu.memory_space<vmem>>, vector<16xf32>,
    %swap3A_450 = arith.constant 13 : i32
    %swap3A_451 = arith.index_cast %swap3A_450 : i32 to index
    %swap3A_452 = arith.constant 0 : index
    %swap3A_453 = tpu.vector_load %arg16[%swap3A_451, %swap3A_452] {strides = array<i32>} : memref<24x128xf32, #tpu.memory_space<vmem>>, vector<16xf32>,
    tpu.vector_store %arg16[%swap3A_451, %swap3A_452], %broadcast_in_dim3A_34 {strides = array<i32>} : memref<24x128xf32, #tpu.memory_space<vmem>>, vector<16xf32>,
    %swap3A_454 = arith.constant 13 : i32
    %swap3A_455 = arith.index_cast %swap3A_454 : i32 to index
    %swap3A_456 = arith.constant 16 : index
    %swap3A_457 = tpu.vector_load %arg16[%swap3A_455, %swap3A_456] {strides = array<i32>} : memref<24x128xf32, #tpu.memory_space<vmem>>, vector<16xf32>,
    tpu.vector_store %arg16[%swap3A_455, %swap3A_456], %broadcast_in_dim3A_34 {strides = array<i32>} : memref<24x128xf32, #tpu.memory_space<vmem>>, vector<16xf32>,
    %swap3A_458 = arith.constant 13 : i32
    %swap3A_459 = arith.index_cast %swap3A_458 : i32 to index
    %swap3A_460 = arith.constant 32 : index
    %swap3A_461 = tpu.vector_load %arg16[%swap3A_459, %swap3A_460] {strides = array<i32>} : memref<24x128xf32, #tpu.memory_space<vmem>>, vector<16xf32>,
    tpu.vector_store %arg16[%swap3A_459, %swap3A_460], %broadcast_in_dim3A_34 {strides = array<i32>} : memref<24x128xf32, #tpu.memory_space<vmem>>, vector<16xf32>,
    %swap3A_462 = arith.constant 13 : i32
    %swap3A_463 = arith.index_cast %swap3A_462 : i32 to index
    %swap3A_464 = arith.constant 48 : index
    %swap3A_465 = tpu.vector_load %arg16[%swap3A_463, %swap3A_464] {strides = array<i32>} : memref<24x128xf32, #tpu.memory_space<vmem>>, vector<16xf32>,
    tpu.vector_store %arg16[%swap3A_463, %swap3A_464], %broadcast_in_dim3A_34 {strides = array<i32>} : memref<24x128xf32, #tpu.memory_space<vmem>>, vector<16xf32>,
    %swap3A_466 = arith.constant 13 : i32
    %swap3A_467 = arith.index_cast %swap3A_466 : i32 to index
    %swap3A_468 = arith.constant 64 : index
    %swap3A_469 = tpu.vector_load %arg16[%swap3A_467, %swap3A_468] {strides = array<i32>} : memref<24x128xf32, #tpu.memory_space<vmem>>, vector<16xf32>,
    tpu.vector_store %arg16[%swap3A_467, %swap3A_468], %broadcast_in_dim3A_34 {strides = array<i32>} : memref<24x128xf32, #tpu.memory_space<vmem>>, vector<16xf32>,
    %swap3A_470 = arith.constant 13 : i32
    %swap3A_471 = arith.index_cast %swap3A_470 : i32 to index
    %swap3A_472 = arith.constant 80 : index
    %swap3A_473 = tpu.vector_load %arg16[%swap3A_471, %swap3A_472] {strides = array<i32>} : memref<24x128xf32, #tpu.memory_space<vmem>>, vector<16xf32>,
    tpu.vector_store %arg16[%swap3A_471, %swap3A_472], %broadcast_in_dim3A_34 {strides = array<i32>} : memref<24x128xf32, #tpu.memory_space<vmem>>, vector<16xf32>,
    %swap3A_474 = arith.constant 13 : i32
    %swap3A_475 = arith.index_cast %swap3A_474 : i32 to index
    %swap3A_476 = arith.constant 96 : index
    %swap3A_477 = tpu.vector_load %arg16[%swap3A_475, %swap3A_476] {strides = array<i32>} : memref<24x128xf32, #tpu.memory_space<vmem>>, vector<16xf32>,
    tpu.vector_store %arg16[%swap3A_475, %swap3A_476], %broadcast_in_dim3A_34 {strides = array<i32>} : memref<24x128xf32, #tpu.memory_space<vmem>>, vector<16xf32>,
    %swap3A_478 = arith.constant 13 : i32
    %swap3A_479 = arith.index_cast %swap3A_478 : i32 to index
    %swap3A_480 = arith.constant 112 : index
    %swap3A_481 = tpu.vector_load %arg16[%swap3A_479, %swap3A_480] {strides = array<i32>} : memref<24x128xf32, #tpu.memory_space<vmem>>, vector<16xf32>,
    tpu.vector_store %arg16[%swap3A_479, %swap3A_480], %broadcast_in_dim3A_34 {strides = array<i32>} : memref<24x128xf32, #tpu.memory_space<vmem>>, vector<16xf32>,
    %swap3A_482 = arith.constant 14 : i32
    %swap3A_483 = arith.index_cast %swap3A_482 : i32 to index
    %swap3A_484 = arith.constant 0 : index
    %swap3A_485 = tpu.vector_load %arg16[%swap3A_483, %swap3A_484] {strides = array<i32>} : memref<24x128xf32, #tpu.memory_space<vmem>>, vector<16xf32>,
    tpu.vector_store %arg16[%swap3A_483, %swap3A_484], %broadcast_in_dim3A_34 {strides = array<i32>} : memref<24x128xf32, #tpu.memory_space<vmem>>, vector<16xf32>,
    %swap3A_486 = arith.constant 14 : i32
    %swap3A_487 = arith.index_cast %swap3A_486 : i32 to index
    %swap3A_488 = arith.constant 16 : index
    %swap3A_489 = tpu.vector_load %arg16[%swap3A_487, %swap3A_488] {strides = array<i32>} : memref<24x128xf32, #tpu.memory_space<vmem>>, vector<16xf32>,
    tpu.vector_store %arg16[%swap3A_487, %swap3A_488], %broadcast_in_dim3A_34 {strides = array<i32>} : memref<24x128xf32, #tpu.memory_space<vmem>>, vector<16xf32>,
    %swap3A_490 = arith.constant 14 : i32
    %swap3A_491 = arith.index_cast %swap3A_490 : i32 to index
    %swap3A_492 = arith.constant 32 : index
    %swap3A_493 = tpu.vector_load %arg16[%swap3A_491, %swap3A_492] {strides = array<i32>} : memref<24x128xf32, #tpu.memory_space<vmem>>, vector<16xf32>,
    tpu.vector_store %arg16[%swap3A_491, %swap3A_492], %broadcast_in_dim3A_34 {strides = array<i32>} : memref<24x128xf32, #tpu.memory_space<vmem>>, vector<16xf32>,
    %swap3A_494 = arith.constant 14 : i32
    %swap3A_495 = arith.index_cast %swap3A_494 : i32 to index
    %swap3A_496 = arith.constant 48 : index
    %swap3A_497 = tpu.vector_load %arg16[%swap3A_495, %swap3A_496] {strides = array<i32>} : memref<24x128xf32, #tpu.memory_space<vmem>>, vector<16xf32>,
    tpu.vector_store %arg16[%swap3A_495, %swap3A_496], %broadcast_in_dim3A_34 {strides = array<i32>} : memref<24x128xf32, #tpu.memory_space<vmem>>, vector<16xf32>,
    %swap3A_498 = arith.constant 14 : i32
    %swap3A_499 = arith.index_cast %swap3A_498 : i32 to index
    %swap3A_500 = arith.constant 64 : index
    %swap3A_501 = tpu.vector_load %arg16[%swap3A_499, %swap3A_500] {strides = array<i32>} : memref<24x128xf32, #tpu.memory_space<vmem>>, vector<16xf32>,
    tpu.vector_store %arg16[%swap3A_499, %swap3A_500], %broadcast_in_dim3A_34 {strides = array<i32>} : memref<24x128xf32, #tpu.memory_space<vmem>>, vector<16xf32>,
    %swap3A_502 = arith.constant 14 : i32
    %swap3A_503 = arith.index_cast %swap3A_502 : i32 to index
    %swap3A_504 = arith.constant 80 : index
    %swap3A_505 = tpu.vector_load %arg16[%swap3A_503, %swap3A_504] {strides = array<i32>} : memref<24x128xf32, #tpu.memory_space<vmem>>, vector<16xf32>,
    tpu.vector_store %arg16[%swap3A_503, %swap3A_504], %broadcast_in_dim3A_34 {strides = array<i32>} : memref<24x128xf32, #tpu.memory_space<vmem>>, vector<16xf32>,
    %swap3A_506 = arith.constant 14 : i32
    %swap3A_507 = arith.index_cast %swap3A_506 : i32 to index
    %swap3A_508 = arith.constant 96 : index
    %swap3A_509 = tpu.vector_load %arg16[%swap3A_507, %swap3A_508] {strides = array<i32>} : memref<24x128xf32, #tpu.memory_space<vmem>>, vector<16xf32>,
    tpu.vector_store %arg16[%swap3A_507, %swap3A_508], %broadcast_in_dim3A_34 {strides = array<i32>} : memref<24x128xf32, #tpu.memory_space<vmem>>, vector<16xf32>,
    %swap3A_510 = arith.constant 14 : i32
    %swap3A_511 = arith.index_cast %swap3A_510 : i32 to index
    %swap3A_512 = arith.constant 112 : index
    %swap3A_513 = tpu.vector_load %arg16[%swap3A_511, %swap3A_512] {strides = array<i32>} : memref<24x128xf32, #tpu.memory_space<vmem>>, vector<16xf32>,
    tpu.vector_store %arg16[%swap3A_511, %swap3A_512], %broadcast_in_dim3A_34 {strides = array<i32>} : memref<24x128xf32, #tpu.memory_space<vmem>>, vector<16xf32>,
    %swap3A_514 = arith.constant 15 : i32
    %swap3A_515 = arith.index_cast %swap3A_514 : i32 to index
    %swap3A_516 = arith.constant 0 : index
    %swap3A_517 = tpu.vector_load %arg16[%swap3A_515, %swap3A_516] {strides = array<i32>} : memref<24x128xf32, #tpu.memory_space<vmem>>, vector<16xf32>,
    tpu.vector_store %arg16[%swap3A_515, %swap3A_516], %broadcast_in_dim3A_34 {strides = array<i32>} : memref<24x128xf32, #tpu.memory_space<vmem>>, vector<16xf32>,
    %swap3A_518 = arith.constant 15 : i32
    %swap3A_519 = arith.index_cast %swap3A_518 : i32 to index
    %swap3A_520 = arith.constant 16 : index
    %swap3A_521 = tpu.vector_load %arg16[%swap3A_519, %swap3A_520] {strides = array<i32>} : memref<24x128xf32, #tpu.memory_space<vmem>>, vector<16xf32>,
    tpu.vector_store %arg16[%swap3A_519, %swap3A_520], %broadcast_in_dim3A_34 {strides = array<i32>} : memref<24x128xf32, #tpu.memory_space<vmem>>, vector<16xf32>,
    %swap3A_522 = arith.constant 15 : i32
    %swap3A_523 = arith.index_cast %swap3A_522 : i32 to index
    %swap3A_524 = arith.constant 32 : index
    %swap3A_525 = tpu.vector_load %arg16[%swap3A_523, %swap3A_524] {strides = array<i32>} : memref<24x128xf32, #tpu.memory_space<vmem>>, vector<16xf32>,
    tpu.vector_store %arg16[%swap3A_523, %swap3A_524], %broadcast_in_dim3A_34 {strides = array<i32>} : memref<24x128xf32, #tpu.memory_space<vmem>>, vector<16xf32>,
    %swap3A_526 = arith.constant 15 : i32
    %swap3A_527 = arith.index_cast %swap3A_526 : i32 to index
    %swap3A_528 = arith.constant 48 : index
    %swap3A_529 = tpu.vector_load %arg16[%swap3A_527, %swap3A_528] {strides = array<i32>} : memref<24x128xf32, #tpu.memory_space<vmem>>, vector<16xf32>,
    tpu.vector_store %arg16[%swap3A_527, %swap3A_528], %broadcast_in_dim3A_34 {strides = array<i32>} : memref<24x128xf32, #tpu.memory_space<vmem>>, vector<16xf32>,
    %swap3A_530 = arith.constant 15 : i32
    %swap3A_531 = arith.index_cast %swap3A_530 : i32 to index
    %swap3A_532 = arith.constant 64 : index
    %swap3A_533 = tpu.vector_load %arg16[%swap3A_531, %swap3A_532] {strides = array<i32>} : memref<24x128xf32, #tpu.memory_space<vmem>>, vector<16xf32>,
    tpu.vector_store %arg16[%swap3A_531, %swap3A_532], %broadcast_in_dim3A_34 {strides = array<i32>} : memref<24x128xf32, #tpu.memory_space<vmem>>, vector<16xf32>,
    %swap3A_534 = arith.constant 15 : i32
    %swap3A_535 = arith.index_cast %swap3A_534 : i32 to index
    %swap3A_536 = arith.constant 80 : index
    %swap3A_537 = tpu.vector_load %arg16[%swap3A_535, %swap3A_536] {strides = array<i32>} : memref<24x128xf32, #tpu.memory_space<vmem>>, vector<16xf32>,
    tpu.vector_store %arg16[%swap3A_535, %swap3A_536], %broadcast_in_dim3A_34 {strides = array<i32>} : memref<24x128xf32, #tpu.memory_space<vmem>>, vector<16xf32>,
    %swap3A_538 = arith.constant 15 : i32
    %swap3A_539 = arith.index_cast %swap3A_538 : i32 to index
    %swap3A_540 = arith.constant 96 : index
    %swap3A_541 = tpu.vector_load %arg16[%swap3A_539, %swap3A_540] {strides = array<i32>} : memref<24x128xf32, #tpu.memory_space<vmem>>, vector<16xf32>,
    tpu.vector_store %arg16[%swap3A_539, %swap3A_540], %broadcast_in_dim3A_34 {strides = array<i32>} : memref<24x128xf32, #tpu.memory_space<vmem>>, vector<16xf32>,
    %swap3A_542 = arith.constant 15 : i32
    %swap3A_543 = arith.index_cast %swap3A_542 : i32 to index
    %swap3A_544 = arith.constant 112 : index
    %swap3A_545 = tpu.vector_load %arg16[%swap3A_543, %swap3A_544] {strides = array<i32>} : memref<24x128xf32, #tpu.memory_space<vmem>>, vector<16xf32>,
    tpu.vector_store %arg16[%swap3A_543, %swap3A_544], %broadcast_in_dim3A_34 {strides = array<i32>} : memref<24x128xf32, #tpu.memory_space<vmem>>, vector<16xf32>,
    %swap3A_546 = arith.constant 16 : i32
    %swap3A_547 = arith.index_cast %swap3A_546 : i32 to index
    %swap3A_548 = arith.constant 0 : index
    %swap3A_549 = tpu.vector_load %arg16[%swap3A_547, %swap3A_548] {strides = array<i32>} : memref<24x128xf32, #tpu.memory_space<vmem>>, vector<16xf32>,
    tpu.vector_store %arg16[%swap3A_547, %swap3A_548], %broadcast_in_dim3A_34 {strides = array<i32>} : memref<24x128xf32, #tpu.memory_space<vmem>>, vector<16xf32>,
    %swap3A_550 = arith.constant 16 : i32
    %swap3A_551 = arith.index_cast %swap3A_550 : i32 to index
    %swap3A_552 = arith.constant 16 : index
    %swap3A_553 = tpu.vector_load %arg16[%swap3A_551, %swap3A_552] {strides = array<i32>} : memref<24x128xf32, #tpu.memory_space<vmem>>, vector<16xf32>,
    tpu.vector_store %arg16[%swap3A_551, %swap3A_552], %broadcast_in_dim3A_34 {strides = array<i32>} : memref<24x128xf32, #tpu.memory_space<vmem>>, vector<16xf32>,
    %swap3A_554 = arith.constant 16 : i32
    %swap3A_555 = arith.index_cast %swap3A_554 : i32 to index
    %swap3A_556 = arith.constant 32 : index
    %swap3A_557 = tpu.vector_load %arg16[%swap3A_555, %swap3A_556] {strides = array<i32>} : memref<24x128xf32, #tpu.memory_space<vmem>>, vector<16xf32>,
    tpu.vector_store %arg16[%swap3A_555, %swap3A_556], %broadcast_in_dim3A_34 {strides = array<i32>} : memref<24x128xf32, #tpu.memory_space<vmem>>, vector<16xf32>,
    %swap3A_558 = arith.constant 16 : i32
    %swap3A_559 = arith.index_cast %swap3A_558 : i32 to index
    %swap3A_560 = arith.constant 48 : index
    %swap3A_561 = tpu.vector_load %arg16[%swap3A_559, %swap3A_560] {strides = array<i32>} : memref<24x128xf32, #tpu.memory_space<vmem>>, vector<16xf32>,
    tpu.vector_store %arg16[%swap3A_559, %swap3A_560], %broadcast_in_dim3A_34 {strides = array<i32>} : memref<24x128xf32, #tpu.memory_space<vmem>>, vector<16xf32>,
    %swap3A_562 = arith.constant 16 : i32
    %swap3A_563 = arith.index_cast %swap3A_562 : i32 to index
    %swap3A_564 = arith.constant 64 : index
    %swap3A_565 = tpu.vector_load %arg16[%swap3A_563, %swap3A_564] {strides = array<i32>} : memref<24x128xf32, #tpu.memory_space<vmem>>, vector<16xf32>,
    tpu.vector_store %arg16[%swap3A_563, %swap3A_564], %broadcast_in_dim3A_34 {strides = array<i32>} : memref<24x128xf32, #tpu.memory_space<vmem>>, vector<16xf32>,
    %swap3A_566 = arith.constant 16 : i32
    %swap3A_567 = arith.index_cast %swap3A_566 : i32 to index
    %swap3A_568 = arith.constant 80 : index
    %swap3A_569 = tpu.vector_load %arg16[%swap3A_567, %swap3A_568] {strides = array<i32>} : memref<24x128xf32, #tpu.memory_space<vmem>>, vector<16xf32>,
    tpu.vector_store %arg16[%swap3A_567, %swap3A_568], %broadcast_in_dim3A_34 {strides = array<i32>} : memref<24x128xf32, #tpu.memory_space<vmem>>, vector<16xf32>,
    %swap3A_570 = arith.constant 16 : i32
    %swap3A_571 = arith.index_cast %swap3A_570 : i32 to index
    %swap3A_572 = arith.constant 96 : index
    %swap3A_573 = tpu.vector_load %arg16[%swap3A_571, %swap3A_572] {strides = array<i32>} : memref<24x128xf32, #tpu.memory_space<vmem>>, vector<16xf32>,
    tpu.vector_store %arg16[%swap3A_571, %swap3A_572], %broadcast_in_dim3A_34 {strides = array<i32>} : memref<24x128xf32, #tpu.memory_space<vmem>>, vector<16xf32>,
    %swap3A_574 = arith.constant 16 : i32
    %swap3A_575 = arith.index_cast %swap3A_574 : i32 to index
    %swap3A_576 = arith.constant 112 : index
    %swap3A_577 = tpu.vector_load %arg16[%swap3A_575, %swap3A_576] {strides = array<i32>} : memref<24x128xf32, #tpu.memory_space<vmem>>, vector<16xf32>,
    tpu.vector_store %arg16[%swap3A_575, %swap3A_576], %broadcast_in_dim3A_34 {strides = array<i32>} : memref<24x128xf32, #tpu.memory_space<vmem>>, vector<16xf32>,
    %swap3A_578 = arith.constant 17 : i32
    %swap3A_579 = arith.index_cast %swap3A_578 : i32 to index
    %swap3A_580 = arith.constant 0 : index
    %swap3A_581 = tpu.vector_load %arg16[%swap3A_579, %swap3A_580] {strides = array<i32>} : memref<24x128xf32, #tpu.memory_space<vmem>>, vector<16xf32>,
    tpu.vector_store %arg16[%swap3A_579, %swap3A_580], %broadcast_in_dim3A_34 {strides = array<i32>} : memref<24x128xf32, #tpu.memory_space<vmem>>, vector<16xf32>,
    %swap3A_582 = arith.constant 17 : i32
    %swap3A_583 = arith.index_cast %swap3A_582 : i32 to index
    %swap3A_584 = arith.constant 16 : index
    %swap3A_585 = tpu.vector_load %arg16[%swap3A_583, %swap3A_584] {strides = array<i32>} : memref<24x128xf32, #tpu.memory_space<vmem>>, vector<16xf32>,
    tpu.vector_store %arg16[%swap3A_583, %swap3A_584], %broadcast_in_dim3A_34 {strides = array<i32>} : memref<24x128xf32, #tpu.memory_space<vmem>>, vector<16xf32>,
    %swap3A_586 = arith.constant 17 : i32
    %swap3A_587 = arith.index_cast %swap3A_586 : i32 to index
    %swap3A_588 = arith.constant 32 : index
    %swap3A_589 = tpu.vector_load %arg16[%swap3A_587, %swap3A_588] {strides = array<i32>} : memref<24x128xf32, #tpu.memory_space<vmem>>, vector<16xf32>,
    tpu.vector_store %arg16[%swap3A_587, %swap3A_588], %broadcast_in_dim3A_34 {strides = array<i32>} : memref<24x128xf32, #tpu.memory_space<vmem>>, vector<16xf32>,
    %swap3A_590 = arith.constant 17 : i32
    %swap3A_591 = arith.index_cast %swap3A_590 : i32 to index
    %swap3A_592 = arith.constant 48 : index
    %swap3A_593 = tpu.vector_load %arg16[%swap3A_591, %swap3A_592] {strides = array<i32>} : memref<24x128xf32, #tpu.memory_space<vmem>>, vector<16xf32>,
    tpu.vector_store %arg16[%swap3A_591, %swap3A_592], %broadcast_in_dim3A_34 {strides = array<i32>} : memref<24x128xf32, #tpu.memory_space<vmem>>, vector<16xf32>,
    %swap3A_594 = arith.constant 17 : i32
    %swap3A_595 = arith.index_cast %swap3A_594 : i32 to index
    %swap3A_596 = arith.constant 64 : index
    %swap3A_597 = tpu.vector_load %arg16[%swap3A_595, %swap3A_596] {strides = array<i32>} : memref<24x128xf32, #tpu.memory_space<vmem>>, vector<16xf32>,
    tpu.vector_store %arg16[%swap3A_595, %swap3A_596], %broadcast_in_dim3A_34 {strides = array<i32>} : memref<24x128xf32, #tpu.memory_space<vmem>>, vector<16xf32>,
    %swap3A_598 = arith.constant 17 : i32
    %swap3A_599 = arith.index_cast %swap3A_598 : i32 to index
    %swap3A_600 = arith.constant 80 : index
    %swap3A_601 = tpu.vector_load %arg16[%swap3A_599, %swap3A_600] {strides = array<i32>} : memref<24x128xf32, #tpu.memory_space<vmem>>, vector<16xf32>,
    tpu.vector_store %arg16[%swap3A_599, %swap3A_600], %broadcast_in_dim3A_34 {strides = array<i32>} : memref<24x128xf32, #tpu.memory_space<vmem>>, vector<16xf32>,
    %swap3A_602 = arith.constant 17 : i32
    %swap3A_603 = arith.index_cast %swap3A_602 : i32 to index
    %swap3A_604 = arith.constant 96 : index
    %swap3A_605 = tpu.vector_load %arg16[%swap3A_603, %swap3A_604] {strides = array<i32>} : memref<24x128xf32, #tpu.memory_space<vmem>>, vector<16xf32>,
    tpu.vector_store %arg16[%swap3A_603, %swap3A_604], %broadcast_in_dim3A_34 {strides = array<i32>} : memref<24x128xf32, #tpu.memory_space<vmem>>, vector<16xf32>,
    %swap3A_606 = arith.constant 17 : i32
    %swap3A_607 = arith.index_cast %swap3A_606 : i32 to index
    %swap3A_608 = arith.constant 112 : index
    %swap3A_609 = tpu.vector_load %arg16[%swap3A_607, %swap3A_608] {strides = array<i32>} : memref<24x128xf32, #tpu.memory_space<vmem>>, vector<16xf32>,
    tpu.vector_store %arg16[%swap3A_607, %swap3A_608], %broadcast_in_dim3A_34 {strides = array<i32>} : memref<24x128xf32, #tpu.memory_space<vmem>>, vector<16xf32>,
    %swap3A_610 = arith.constant 18 : i32
    %swap3A_611 = arith.index_cast %swap3A_610 : i32 to index
    %swap3A_612 = arith.constant 0 : index
    %swap3A_613 = tpu.vector_load %arg16[%swap3A_611, %swap3A_612] {strides = array<i32>} : memref<24x128xf32, #tpu.memory_space<vmem>>, vector<16xf32>,
    tpu.vector_store %arg16[%swap3A_611, %swap3A_612], %broadcast_in_dim3A_34 {strides = array<i32>} : memref<24x128xf32, #tpu.memory_space<vmem>>, vector<16xf32>,
    %swap3A_614 = arith.constant 18 : i32
    %swap3A_615 = arith.index_cast %swap3A_614 : i32 to index
    %swap3A_616 = arith.constant 16 : index
    %swap3A_617 = tpu.vector_load %arg16[%swap3A_615, %swap3A_616] {strides = array<i32>} : memref<24x128xf32, #tpu.memory_space<vmem>>, vector<16xf32>,
    tpu.vector_store %arg16[%swap3A_615, %swap3A_616], %broadcast_in_dim3A_34 {strides = array<i32>} : memref<24x128xf32, #tpu.memory_space<vmem>>, vector<16xf32>,
    %swap3A_618 = arith.constant 18 : i32
    %swap3A_619 = arith.index_cast %swap3A_618 : i32 to index
    %swap3A_620 = arith.constant 32 : index
    %swap3A_621 = tpu.vector_load %arg16[%swap3A_619, %swap3A_620] {strides = array<i32>} : memref<24x128xf32, #tpu.memory_space<vmem>>, vector<16xf32>,
    tpu.vector_store %arg16[%swap3A_619, %swap3A_620], %broadcast_in_dim3A_34 {strides = array<i32>} : memref<24x128xf32, #tpu.memory_space<vmem>>, vector<16xf32>,
    %swap3A_622 = arith.constant 18 : i32
    %swap3A_623 = arith.index_cast %swap3A_622 : i32 to index
    %swap3A_624 = arith.constant 48 : index
    %swap3A_625 = tpu.vector_load %arg16[%swap3A_623, %swap3A_624] {strides = array<i32>} : memref<24x128xf32, #tpu.memory_space<vmem>>, vector<16xf32>,
    tpu.vector_store %arg16[%swap3A_623, %swap3A_624], %broadcast_in_dim3A_34 {strides = array<i32>} : memref<24x128xf32, #tpu.memory_space<vmem>>, vector<16xf32>,
    %swap3A_626 = arith.constant 18 : i32
    %swap3A_627 = arith.index_cast %swap3A_626 : i32 to index
    %swap3A_628 = arith.constant 64 : index
    %swap3A_629 = tpu.vector_load %arg16[%swap3A_627, %swap3A_628] {strides = array<i32>} : memref<24x128xf32, #tpu.memory_space<vmem>>, vector<16xf32>,
    tpu.vector_store %arg16[%swap3A_627, %swap3A_628], %broadcast_in_dim3A_34 {strides = array<i32>} : memref<24x128xf32, #tpu.memory_space<vmem>>, vector<16xf32>,
    %swap3A_630 = arith.constant 18 : i32
    %swap3A_631 = arith.index_cast %swap3A_630 : i32 to index
    %swap3A_632 = arith.constant 80 : index
    %swap3A_633 = tpu.vector_load %arg16[%swap3A_631, %swap3A_632] {strides = array<i32>} : memref<24x128xf32, #tpu.memory_space<vmem>>, vector<16xf32>,
    tpu.vector_store %arg16[%swap3A_631, %swap3A_632], %broadcast_in_dim3A_34 {strides = array<i32>} : memref<24x128xf32, #tpu.memory_space<vmem>>, vector<16xf32>,
    %swap3A_634 = arith.constant 18 : i32
    %swap3A_635 = arith.index_cast %swap3A_634 : i32 to index
    %swap3A_636 = arith.constant 96 : index
    %swap3A_637 = tpu.vector_load %arg16[%swap3A_635, %swap3A_636] {strides = array<i32>} : memref<24x128xf32, #tpu.memory_space<vmem>>, vector<16xf32>,
    tpu.vector_store %arg16[%swap3A_635, %swap3A_636], %broadcast_in_dim3A_34 {strides = array<i32>} : memref<24x128xf32, #tpu.memory_space<vmem>>, vector<16xf32>,
    %swap3A_638 = arith.constant 18 : i32
    %swap3A_639 = arith.index_cast %swap3A_638 : i32 to index
    %swap3A_640 = arith.constant 112 : index
    %swap3A_641 = tpu.vector_load %arg16[%swap3A_639, %swap3A_640] {strides = array<i32>} : memref<24x128xf32, #tpu.memory_space<vmem>>, vector<16xf32>,
    tpu.vector_store %arg16[%swap3A_639, %swap3A_640], %broadcast_in_dim3A_34 {strides = array<i32>} : memref<24x128xf32, #tpu.memory_space<vmem>>, vector<16xf32>,
    %swap3A_642 = arith.constant 19 : i32
    %swap3A_643 = arith.index_cast %swap3A_642 : i32 to index
    %swap3A_644 = arith.constant 0 : index
    %swap3A_645 = tpu.vector_load %arg16[%swap3A_643, %swap3A_644] {strides = array<i32>} : memref<24x128xf32, #tpu.memory_space<vmem>>, vector<16xf32>,
    tpu.vector_store %arg16[%swap3A_643, %swap3A_644], %broadcast_in_dim3A_34 {strides = array<i32>} : memref<24x128xf32, #tpu.memory_space<vmem>>, vector<16xf32>,
    %swap3A_646 = arith.constant 19 : i32
    %swap3A_647 = arith.index_cast %swap3A_646 : i32 to index
    %swap3A_648 = arith.constant 16 : index
    %swap3A_649 = tpu.vector_load %arg16[%swap3A_647, %swap3A_648] {strides = array<i32>} : memref<24x128xf32, #tpu.memory_space<vmem>>, vector<16xf32>,
    tpu.vector_store %arg16[%swap3A_647, %swap3A_648], %broadcast_in_dim3A_34 {strides = array<i32>} : memref<24x128xf32, #tpu.memory_space<vmem>>, vector<16xf32>,
    %swap3A_650 = arith.constant 19 : i32
    %swap3A_651 = arith.index_cast %swap3A_650 : i32 to index
    %swap3A_652 = arith.constant 32 : index
    %swap3A_653 = tpu.vector_load %arg16[%swap3A_651, %swap3A_652] {strides = array<i32>} : memref<24x128xf32, #tpu.memory_space<vmem>>, vector<16xf32>,
    tpu.vector_store %arg16[%swap3A_651, %swap3A_652], %broadcast_in_dim3A_34 {strides = array<i32>} : memref<24x128xf32, #tpu.memory_space<vmem>>, vector<16xf32>,
    %swap3A_654 = arith.constant 19 : i32
    %swap3A_655 = arith.index_cast %swap3A_654 : i32 to index
    %swap3A_656 = arith.constant 48 : index
    %swap3A_657 = tpu.vector_load %arg16[%swap3A_655, %swap3A_656] {strides = array<i32>} : memref<24x128xf32, #tpu.memory_space<vmem>>, vector<16xf32>,
    tpu.vector_store %arg16[%swap3A_655, %swap3A_656], %broadcast_in_dim3A_34 {strides = array<i32>} : memref<24x128xf32, #tpu.memory_space<vmem>>, vector<16xf32>,
    %swap3A_658 = arith.constant 19 : i32
    %swap3A_659 = arith.index_cast %swap3A_658 : i32 to index
    %swap3A_660 = arith.constant 64 : index
    %swap3A_661 = tpu.vector_load %arg16[%swap3A_659, %swap3A_660] {strides = array<i32>} : memref<24x128xf32, #tpu.memory_space<vmem>>, vector<16xf32>,
    tpu.vector_store %arg16[%swap3A_659, %swap3A_660], %broadcast_in_dim3A_34 {strides = array<i32>} : memref<24x128xf32, #tpu.memory_space<vmem>>, vector<16xf32>,
    %swap3A_662 = arith.constant 19 : i32
    %swap3A_663 = arith.index_cast %swap3A_662 : i32 to index
    %swap3A_664 = arith.constant 80 : index
    %swap3A_665 = tpu.vector_load %arg16[%swap3A_663, %swap3A_664] {strides = array<i32>} : memref<24x128xf32, #tpu.memory_space<vmem>>, vector<16xf32>,
    tpu.vector_store %arg16[%swap3A_663, %swap3A_664], %broadcast_in_dim3A_34 {strides = array<i32>} : memref<24x128xf32, #tpu.memory_space<vmem>>, vector<16xf32>,
    %swap3A_666 = arith.constant 19 : i32
    %swap3A_667 = arith.index_cast %swap3A_666 : i32 to index
    %swap3A_668 = arith.constant 96 : index
    %swap3A_669 = tpu.vector_load %arg16[%swap3A_667, %swap3A_668] {strides = array<i32>} : memref<24x128xf32, #tpu.memory_space<vmem>>, vector<16xf32>,
    tpu.vector_store %arg16[%swap3A_667, %swap3A_668], %broadcast_in_dim3A_34 {strides = array<i32>} : memref<24x128xf32, #tpu.memory_space<vmem>>, vector<16xf32>,
    %swap3A_670 = arith.constant 19 : i32
    %swap3A_671 = arith.index_cast %swap3A_670 : i32 to index
    %swap3A_672 = arith.constant 112 : index
    %swap3A_673 = tpu.vector_load %arg16[%swap3A_671, %swap3A_672] {strides = array<i32>} : memref<24x128xf32, #tpu.memory_space<vmem>>, vector<16xf32>,
    tpu.vector_store %arg16[%swap3A_671, %swap3A_672], %broadcast_in_dim3A_34 {strides = array<i32>} : memref<24x128xf32, #tpu.memory_space<vmem>>, vector<16xf32>,
    %swap3A_674 = arith.constant 20 : i32
    %swap3A_675 = arith.index_cast %swap3A_674 : i32 to index
    %swap3A_676 = arith.constant 0 : index
    %swap3A_677 = tpu.vector_load %arg16[%swap3A_675, %swap3A_676] {strides = array<i32>} : memref<24x128xf32, #tpu.memory_space<vmem>>, vector<16xf32>,
    tpu.vector_store %arg16[%swap3A_675, %swap3A_676], %broadcast_in_dim3A_34 {strides = array<i32>} : memref<24x128xf32, #tpu.memory_space<vmem>>, vector<16xf32>,
    %swap3A_678 = arith.constant 20 : i32
    %swap3A_679 = arith.index_cast %swap3A_678 : i32 to index
    %swap3A_680 = arith.constant 16 : index
    %swap3A_681 = tpu.vector_load %arg16[%swap3A_679, %swap3A_680] {strides = array<i32>} : memref<24x128xf32, #tpu.memory_space<vmem>>, vector<16xf32>,
    tpu.vector_store %arg16[%swap3A_679, %swap3A_680], %broadcast_in_dim3A_34 {strides = array<i32>} : memref<24x128xf32, #tpu.memory_space<vmem>>, vector<16xf32>,
    %swap3A_682 = arith.constant 20 : i32
    %swap3A_683 = arith.index_cast %swap3A_682 : i32 to index
    %swap3A_684 = arith.constant 32 : index
    %swap3A_685 = tpu.vector_load %arg16[%swap3A_683, %swap3A_684] {strides = array<i32>} : memref<24x128xf32, #tpu.memory_space<vmem>>, vector<16xf32>,
    tpu.vector_store %arg16[%swap3A_683, %swap3A_684], %broadcast_in_dim3A_34 {strides = array<i32>} : memref<24x128xf32, #tpu.memory_space<vmem>>, vector<16xf32>,
    %swap3A_686 = arith.constant 20 : i32
    %swap3A_687 = arith.index_cast %swap3A_686 : i32 to index
    %swap3A_688 = arith.constant 48 : index
    %swap3A_689 = tpu.vector_load %arg16[%swap3A_687, %swap3A_688] {strides = array<i32>} : memref<24x128xf32, #tpu.memory_space<vmem>>, vector<16xf32>,
    tpu.vector_store %arg16[%swap3A_687, %swap3A_688], %broadcast_in_dim3A_34 {strides = array<i32>} : memref<24x128xf32, #tpu.memory_space<vmem>>, vector<16xf32>,
    %swap3A_690 = arith.constant 20 : i32
    %swap3A_691 = arith.index_cast %swap3A_690 : i32 to index
    %swap3A_692 = arith.constant 64 : index
    %swap3A_693 = tpu.vector_load %arg16[%swap3A_691, %swap3A_692] {strides = array<i32>} : memref<24x128xf32, #tpu.memory_space<vmem>>, vector<16xf32>,
    tpu.vector_store %arg16[%swap3A_691, %swap3A_692], %broadcast_in_dim3A_34 {strides = array<i32>} : memref<24x128xf32, #tpu.memory_space<vmem>>, vector<16xf32>,
    %swap3A_694 = arith.constant 20 : i32
    %swap3A_695 = arith.index_cast %swap3A_694 : i32 to index
    %swap3A_696 = arith.constant 80 : index
    %swap3A_697 = tpu.vector_load %arg16[%swap3A_695, %swap3A_696] {strides = array<i32>} : memref<24x128xf32, #tpu.memory_space<vmem>>, vector<16xf32>,
    tpu.vector_store %arg16[%swap3A_695, %swap3A_696], %broadcast_in_dim3A_34 {strides = array<i32>} : memref<24x128xf32, #tpu.memory_space<vmem>>, vector<16xf32>,
    %swap3A_698 = arith.constant 20 : i32
    %swap3A_699 = arith.index_cast %swap3A_698 : i32 to index
    %swap3A_700 = arith.constant 96 : index
    %swap3A_701 = tpu.vector_load %arg16[%swap3A_699, %swap3A_700] {strides = array<i32>} : memref<24x128xf32, #tpu.memory_space<vmem>>, vector<16xf32>,
    tpu.vector_store %arg16[%swap3A_699, %swap3A_700], %broadcast_in_dim3A_34 {strides = array<i32>} : memref<24x128xf32, #tpu.memory_space<vmem>>, vector<16xf32>,
    %swap3A_702 = arith.constant 20 : i32
    %swap3A_703 = arith.index_cast %swap3A_702 : i32 to index
    %swap3A_704 = arith.constant 112 : index
    %swap3A_705 = tpu.vector_load %arg16[%swap3A_703, %swap3A_704] {strides = array<i32>} : memref<24x128xf32, #tpu.memory_space<vmem>>, vector<16xf32>,
    tpu.vector_store %arg16[%swap3A_703, %swap3A_704], %broadcast_in_dim3A_34 {strides = array<i32>} : memref<24x128xf32, #tpu.memory_space<vmem>>, vector<16xf32>,
    %swap3A_706 = arith.constant 21 : i32
    %swap3A_707 = arith.index_cast %swap3A_706 : i32 to index
    %swap3A_708 = arith.constant 0 : index
    %swap3A_709 = tpu.vector_load %arg16[%swap3A_707, %swap3A_708] {strides = array<i32>} : memref<24x128xf32, #tpu.memory_space<vmem>>, vector<16xf32>,
    tpu.vector_store %arg16[%swap3A_707, %swap3A_708], %broadcast_in_dim3A_34 {strides = array<i32>} : memref<24x128xf32, #tpu.memory_space<vmem>>, vector<16xf32>,
    %swap3A_710 = arith.constant 21 : i32
    %swap3A_711 = arith.index_cast %swap3A_710 : i32 to index
    %swap3A_712 = arith.constant 16 : index
    %swap3A_713 = tpu.vector_load %arg16[%swap3A_711, %swap3A_712] {strides = array<i32>} : memref<24x128xf32, #tpu.memory_space<vmem>>, vector<16xf32>,
    tpu.vector_store %arg16[%swap3A_711, %swap3A_712], %broadcast_in_dim3A_34 {strides = array<i32>} : memref<24x128xf32, #tpu.memory_space<vmem>>, vector<16xf32>,
    %swap3A_714 = arith.constant 21 : i32
    %swap3A_715 = arith.index_cast %swap3A_714 : i32 to index
    %swap3A_716 = arith.constant 32 : index
    %swap3A_717 = tpu.vector_load %arg16[%swap3A_715, %swap3A_716] {strides = array<i32>} : memref<24x128xf32, #tpu.memory_space<vmem>>, vector<16xf32>,
    tpu.vector_store %arg16[%swap3A_715, %swap3A_716], %broadcast_in_dim3A_34 {strides = array<i32>} : memref<24x128xf32, #tpu.memory_space<vmem>>, vector<16xf32>,
    %swap3A_718 = arith.constant 21 : i32
    %swap3A_719 = arith.index_cast %swap3A_718 : i32 to index
    %swap3A_720 = arith.constant 48 : index
    %swap3A_721 = tpu.vector_load %arg16[%swap3A_719, %swap3A_720] {strides = array<i32>} : memref<24x128xf32, #tpu.memory_space<vmem>>, vector<16xf32>,
    tpu.vector_store %arg16[%swap3A_719, %swap3A_720], %broadcast_in_dim3A_34 {strides = array<i32>} : memref<24x128xf32, #tpu.memory_space<vmem>>, vector<16xf32>,
    %swap3A_722 = arith.constant 21 : i32
    %swap3A_723 = arith.index_cast %swap3A_722 : i32 to index
    %swap3A_724 = arith.constant 64 : index
    %swap3A_725 = tpu.vector_load %arg16[%swap3A_723, %swap3A_724] {strides = array<i32>} : memref<24x128xf32, #tpu.memory_space<vmem>>, vector<16xf32>,
    tpu.vector_store %arg16[%swap3A_723, %swap3A_724], %broadcast_in_dim3A_34 {strides = array<i32>} : memref<24x128xf32, #tpu.memory_space<vmem>>, vector<16xf32>,
    %swap3A_726 = arith.constant 21 : i32
    %swap3A_727 = arith.index_cast %swap3A_726 : i32 to index
    %swap3A_728 = arith.constant 80 : index
    %swap3A_729 = tpu.vector_load %arg16[%swap3A_727, %swap3A_728] {strides = array<i32>} : memref<24x128xf32, #tpu.memory_space<vmem>>, vector<16xf32>,
    tpu.vector_store %arg16[%swap3A_727, %swap3A_728], %broadcast_in_dim3A_34 {strides = array<i32>} : memref<24x128xf32, #tpu.memory_space<vmem>>, vector<16xf32>,
    %swap3A_730 = arith.constant 21 : i32
    %swap3A_731 = arith.index_cast %swap3A_730 : i32 to index
    %swap3A_732 = arith.constant 96 : index
    %swap3A_733 = tpu.vector_load %arg16[%swap3A_731, %swap3A_732] {strides = array<i32>} : memref<24x128xf32, #tpu.memory_space<vmem>>, vector<16xf32>,
    tpu.vector_store %arg16[%swap3A_731, %swap3A_732], %broadcast_in_dim3A_34 {strides = array<i32>} : memref<24x128xf32, #tpu.memory_space<vmem>>, vector<16xf32>,
    %swap3A_734 = arith.constant 21 : i32
    %swap3A_735 = arith.index_cast %swap3A_734 : i32 to index
    %swap3A_736 = arith.constant 112 : index
    %swap3A_737 = tpu.vector_load %arg16[%swap3A_735, %swap3A_736] {strides = array<i32>} : memref<24x128xf32, #tpu.memory_space<vmem>>, vector<16xf32>,
    tpu.vector_store %arg16[%swap3A_735, %swap3A_736], %broadcast_in_dim3A_34 {strides = array<i32>} : memref<24x128xf32, #tpu.memory_space<vmem>>, vector<16xf32>,
    %swap3A_738 = arith.constant 22 : i32
    %swap3A_739 = arith.index_cast %swap3A_738 : i32 to index
    %swap3A_740 = arith.constant 0 : index
    %swap3A_741 = tpu.vector_load %arg16[%swap3A_739, %swap3A_740] {strides = array<i32>} : memref<24x128xf32, #tpu.memory_space<vmem>>, vector<16xf32>,
    tpu.vector_store %arg16[%swap3A_739, %swap3A_740], %broadcast_in_dim3A_34 {strides = array<i32>} : memref<24x128xf32, #tpu.memory_space<vmem>>, vector<16xf32>,
    %swap3A_742 = arith.constant 22 : i32
    %swap3A_743 = arith.index_cast %swap3A_742 : i32 to index
    %swap3A_744 = arith.constant 16 : index
    %swap3A_745 = tpu.vector_load %arg16[%swap3A_743, %swap3A_744] {strides = array<i32>} : memref<24x128xf32, #tpu.memory_space<vmem>>, vector<16xf32>,
    tpu.vector_store %arg16[%swap3A_743, %swap3A_744], %broadcast_in_dim3A_34 {strides = array<i32>} : memref<24x128xf32, #tpu.memory_space<vmem>>, vector<16xf32>,
    %swap3A_746 = arith.constant 22 : i32
    %swap3A_747 = arith.index_cast %swap3A_746 : i32 to index
    %swap3A_748 = arith.constant 32 : index
    %swap3A_749 = tpu.vector_load %arg16[%swap3A_747, %swap3A_748] {strides = array<i32>} : memref<24x128xf32, #tpu.memory_space<vmem>>, vector<16xf32>,
    tpu.vector_store %arg16[%swap3A_747, %swap3A_748], %broadcast_in_dim3A_34 {strides = array<i32>} : memref<24x128xf32, #tpu.memory_space<vmem>>, vector<16xf32>,
    %swap3A_750 = arith.constant 22 : i32
    %swap3A_751 = arith.index_cast %swap3A_750 : i32 to index
    %swap3A_752 = arith.constant 48 : index
    %swap3A_753 = tpu.vector_load %arg16[%swap3A_751, %swap3A_752] {strides = array<i32>} : memref<24x128xf32, #tpu.memory_space<vmem>>, vector<16xf32>,
    tpu.vector_store %arg16[%swap3A_751, %swap3A_752], %broadcast_in_dim3A_34 {strides = array<i32>} : memref<24x128xf32, #tpu.memory_space<vmem>>, vector<16xf32>,
    %swap3A_754 = arith.constant 22 : i32
    %swap3A_755 = arith.index_cast %swap3A_754 : i32 to index
    %swap3A_756 = arith.constant 64 : index
    %swap3A_757 = tpu.vector_load %arg16[%swap3A_755, %swap3A_756] {strides = array<i32>} : memref<24x128xf32, #tpu.memory_space<vmem>>, vector<16xf32>,
    tpu.vector_store %arg16[%swap3A_755, %swap3A_756], %broadcast_in_dim3A_34 {strides = array<i32>} : memref<24x128xf32, #tpu.memory_space<vmem>>, vector<16xf32>,
    %swap3A_758 = arith.constant 22 : i32
    %swap3A_759 = arith.index_cast %swap3A_758 : i32 to index
    %swap3A_760 = arith.constant 80 : index
    %swap3A_761 = tpu.vector_load %arg16[%swap3A_759, %swap3A_760] {strides = array<i32>} : memref<24x128xf32, #tpu.memory_space<vmem>>, vector<16xf32>,
    tpu.vector_store %arg16[%swap3A_759, %swap3A_760], %broadcast_in_dim3A_34 {strides = array<i32>} : memref<24x128xf32, #tpu.memory_space<vmem>>, vector<16xf32>,
    %swap3A_762 = arith.constant 22 : i32
    %swap3A_763 = arith.index_cast %swap3A_762 : i32 to index
    %swap3A_764 = arith.constant 96 : index
    %swap3A_765 = tpu.vector_load %arg16[%swap3A_763, %swap3A_764] {strides = array<i32>} : memref<24x128xf32, #tpu.memory_space<vmem>>, vector<16xf32>,
    tpu.vector_store %arg16[%swap3A_763, %swap3A_764], %broadcast_in_dim3A_34 {strides = array<i32>} : memref<24x128xf32, #tpu.memory_space<vmem>>, vector<16xf32>,
    %swap3A_766 = arith.constant 22 : i32
    %swap3A_767 = arith.index_cast %swap3A_766 : i32 to index
    %swap3A_768 = arith.constant 112 : index
    %swap3A_769 = tpu.vector_load %arg16[%swap3A_767, %swap3A_768] {strides = array<i32>} : memref<24x128xf32, #tpu.memory_space<vmem>>, vector<16xf32>,
    tpu.vector_store %arg16[%swap3A_767, %swap3A_768], %broadcast_in_dim3A_34 {strides = array<i32>} : memref<24x128xf32, #tpu.memory_space<vmem>>, vector<16xf32>,
    %swap3A_770 = arith.constant 23 : i32
    %swap3A_771 = arith.index_cast %swap3A_770 : i32 to index
    %swap3A_772 = arith.constant 0 : index
    %swap3A_773 = tpu.vector_load %arg16[%swap3A_771, %swap3A_772] {strides = array<i32>} : memref<24x128xf32, #tpu.memory_space<vmem>>, vector<16xf32>,
    tpu.vector_store %arg16[%swap3A_771, %swap3A_772], %broadcast_in_dim3A_34 {strides = array<i32>} : memref<24x128xf32, #tpu.memory_space<vmem>>, vector<16xf32>,
    %swap3A_774 = arith.constant 23 : i32
    %swap3A_775 = arith.index_cast %swap3A_774 : i32 to index
    %swap3A_776 = arith.constant 16 : index
    %swap3A_777 = tpu.vector_load %arg16[%swap3A_775, %swap3A_776] {strides = array<i32>} : memref<24x128xf32, #tpu.memory_space<vmem>>, vector<16xf32>,
    tpu.vector_store %arg16[%swap3A_775, %swap3A_776], %broadcast_in_dim3A_34 {strides = array<i32>} : memref<24x128xf32, #tpu.memory_space<vmem>>, vector<16xf32>,
    %swap3A_778 = arith.constant 23 : i32
    %swap3A_779 = arith.index_cast %swap3A_778 : i32 to index
    %swap3A_780 = arith.constant 32 : index
    %swap3A_781 = tpu.vector_load %arg16[%swap3A_779, %swap3A_780] {strides = array<i32>} : memref<24x128xf32, #tpu.memory_space<vmem>>, vector<16xf32>,
    tpu.vector_store %arg16[%swap3A_779, %swap3A_780], %broadcast_in_dim3A_34 {strides = array<i32>} : memref<24x128xf32, #tpu.memory_space<vmem>>, vector<16xf32>,
    %swap3A_782 = arith.constant 23 : i32
    %swap3A_783 = arith.index_cast %swap3A_782 : i32 to index
    %swap3A_784 = arith.constant 48 : index
    %swap3A_785 = tpu.vector_load %arg16[%swap3A_783, %swap3A_784] {strides = array<i32>} : memref<24x128xf32, #tpu.memory_space<vmem>>, vector<16xf32>,
    tpu.vector_store %arg16[%swap3A_783, %swap3A_784], %broadcast_in_dim3A_34 {strides = array<i32>} : memref<24x128xf32, #tpu.memory_space<vmem>>, vector<16xf32>,
    %swap3A_786 = arith.constant 23 : i32
    %swap3A_787 = arith.index_cast %swap3A_786 : i32 to index
    %swap3A_788 = arith.constant 64 : index
    %swap3A_789 = tpu.vector_load %arg16[%swap3A_787, %swap3A_788] {strides = array<i32>} : memref<24x128xf32, #tpu.memory_space<vmem>>, vector<16xf32>,
    tpu.vector_store %arg16[%swap3A_787, %swap3A_788], %broadcast_in_dim3A_34 {strides = array<i32>} : memref<24x128xf32, #tpu.memory_space<vmem>>, vector<16xf32>,
    %swap3A_790 = arith.constant 23 : i32
    %swap3A_791 = arith.index_cast %swap3A_790 : i32 to index
    %swap3A_792 = arith.constant 80 : index
    %swap3A_793 = tpu.vector_load %arg16[%swap3A_791, %swap3A_792] {strides = array<i32>} : memref<24x128xf32, #tpu.memory_space<vmem>>, vector<16xf32>,
    tpu.vector_store %arg16[%swap3A_791, %swap3A_792], %broadcast_in_dim3A_34 {strides = array<i32>} : memref<24x128xf32, #tpu.memory_space<vmem>>, vector<16xf32>,
    %swap3A_794 = arith.constant 23 : i32
    %swap3A_795 = arith.index_cast %swap3A_794 : i32 to index
    %swap3A_796 = arith.constant 96 : index
    %swap3A_797 = tpu.vector_load %arg16[%swap3A_795, %swap3A_796] {strides = array<i32>} : memref<24x128xf32, #tpu.memory_space<vmem>>, vector<16xf32>,
    tpu.vector_store %arg16[%swap3A_795, %swap3A_796], %broadcast_in_dim3A_34 {strides = array<i32>} : memref<24x128xf32, #tpu.memory_space<vmem>>, vector<16xf32>,
    %swap3A_798 = arith.constant 23 : i32
    %swap3A_799 = arith.index_cast %swap3A_798 : i32 to index
    %swap3A_800 = arith.constant 112 : index
    %swap3A_801 = tpu.vector_load %arg16[%swap3A_799, %swap3A_800] {strides = array<i32>} : memref<24x128xf32, #tpu.memory_space<vmem>>, vector<16xf32>,
    tpu.vector_store %arg16[%swap3A_799, %swap3A_800], %broadcast_in_dim3A_34 {strides = array<i32>} : memref<24x128xf32, #tpu.memory_space<vmem>>, vector<16xf32>,
    %scan3A = arith.constant 0 : i32
    %scan3A_802 = arith.constant 0 : i32
    %scan3A_803 = arith.constant 26 : i32
    %scan3A_804 = arith.addi %scan3A_802, %scan3A_803 : i32
    %scan3A_805 = arith.constant 1 : i32
    scf.for %scan3A_851 = %scan3A_802 to %scan3A_804 step %scan3A_805  : i32 {
      %mul3A_852 = arith.constant 624 : i32
      %mul3A_853 = arith.muli %arg1, %mul3A_852 : i32
      %mul3A_854 = arith.constant 24 : i32
      %mul3A_855 = arith.muli %scan3A_851, %mul3A_854 : i32
      %add3A_856 = arith.addi %mul3A_853, %mul3A_855 : i32
      "tpu.region"() ({
        %run_scoped3A = tpu.sem_alloc : memref<!tpu.dma_semaphore, #tpu.memory_space<semaphore_mem>>
        %dma_start3A_857 = arith.constant 0 : i32
        %dma_start3A_858 = tpu.memref_slice %arg18[%add3A_856, %dma_start3A_857] : memref<10008x128xf32, #tpu.memory_space<vmem_shared>> -> memref<24x128xf32, #tpu.memory_space<vmem_shared>>
        %dma_start3A_859 = arith.constant 0 : i32
        %dma_start3A_860 = tpu.memref_slice %arg18[%add3A_856, %dma_start3A_859] : memref<10008x128xf32, #tpu.memory_space<vmem_shared>> -> memref<24x128xf32, #tpu.memory_space<vmem_shared>>
        tpu.enqueue_dma source(%arg16 : memref<24x128xf32, #tpu.memory_space<vmem>>) target(%dma_start3A_860 : memref<24x128xf32, #tpu.memory_space<vmem_shared>>) target_semaphore(%run_scoped3A : memref<!tpu.dma_semaphore, #tpu.memory_space<semaphore_mem>>)
        %dma_wait3A_861 = arith.constant 0 : i32
        %dma_wait3A_862 = tpu.memref_slice %arg18[%add3A_856, %dma_wait3A_861] : memref<10008x128xf32, #tpu.memory_space<vmem_shared>> -> memref<24x128xf32, #tpu.memory_space<vmem_shared>>
        %dma_wait3A_863 = arith.constant 0 : i32
        %dma_wait3A_864 = tpu.memref_slice %arg18[%add3A_856, %dma_wait3A_863] : memref<10008x128xf32, #tpu.memory_space<vmem_shared>> -> memref<24x128xf32, #tpu.memory_space<vmem_shared>>
        tpu.wait_dma2 semaphore(%run_scoped3A : memref<!tpu.dma_semaphore, #tpu.memory_space<semaphore_mem>>) src(%arg16 : memref<24x128xf32, #tpu.memory_space<vmem>>) dst(%dma_wait3A_864 : memref<24x128xf32, #tpu.memory_space<vmem_shared>>)
        tpu.yield
      }) : () -> ()
    }
    %scan3A_806 = arith.constant 26 : i32
    %eq3A = arith.constant 0 : i32
    %eq3A_807 = arith.cmpi eq, %arg1, %eq3A : i32
    %convert_element_type3A = arith.extui %eq3A_807 : i1 to i32
    %cond3A = arith.constant 0 : i32
    %cond3A_808 = arith.cmpi ne, %convert_element_type3A, %cond3A : i32
    scf.if %cond3A_808 {
      "tpu.region"() ({
        %run_scoped3A = tpu.sem_alloc : memref<!tpu.dma_semaphore, #tpu.memory_space<semaphore_mem>>
        %dma_start3A_851 = arith.constant 0 : i32
        %dma_start3A_852 = arith.constant 0 : i32
        %dma_start3A_853 = tpu.memref_slice %arg16[%dma_start3A_851, %dma_start3A_852] : memref<24x128xf32, #tpu.memory_space<vmem>> -> memref<24x128xf32, #tpu.memory_space<vmem>>
        %dma_start3A_854 = arith.constant 9984 : i32
        %dma_start3A_855 = arith.constant 0 : i32
        %dma_start3A_856 = tpu.memref_slice %arg18[%dma_start3A_854, %dma_start3A_855] : memref<10008x128xf32, #tpu.memory_space<vmem_shared>> -> memref<24x128xf32, #tpu.memory_space<vmem_shared>>
        %dma_start3A_857 = arith.constant 9984 : i32
        %dma_start3A_858 = arith.constant 0 : i32
        %dma_start3A_859 = tpu.memref_slice %arg18[%dma_start3A_857, %dma_start3A_858] : memref<10008x128xf32, #tpu.memory_space<vmem_shared>> -> memref<24x128xf32, #tpu.memory_space<vmem_shared>>
        %dma_start3A_860 = arith.constant 0 : i32
        %dma_start3A_861 = arith.constant 0 : i32
        %dma_start3A_862 = tpu.memref_slice %arg16[%dma_start3A_860, %dma_start3A_861] : memref<24x128xf32, #tpu.memory_space<vmem>> -> memref<24x128xf32, #tpu.memory_space<vmem>>
        tpu.enqueue_dma source(%dma_start3A_862 : memref<24x128xf32, #tpu.memory_space<vmem>>) target(%dma_start3A_859 : memref<24x128xf32, #tpu.memory_space<vmem_shared>>) target_semaphore(%run_scoped3A : memref<!tpu.dma_semaphore, #tpu.memory_space<semaphore_mem>>)
        %dma_wait3A_863 = arith.constant 0 : i32
        %dma_wait3A_864 = arith.constant 0 : i32
        %dma_wait3A_865 = tpu.memref_slice %arg16[%dma_wait3A_863, %dma_wait3A_864] : memref<24x128xf32, #tpu.memory_space<vmem>> -> memref<24x128xf32, #tpu.memory_space<vmem>>
        %dma_wait3A_866 = arith.constant 9984 : i32
        %dma_wait3A_867 = arith.constant 0 : i32
        %dma_wait3A_868 = tpu.memref_slice %arg18[%dma_wait3A_866, %dma_wait3A_867] : memref<10008x128xf32, #tpu.memory_space<vmem_shared>> -> memref<24x128xf32, #tpu.memory_space<vmem_shared>>
        %dma_wait3A_869 = arith.constant 9984 : i32
        %dma_wait3A_870 = arith.constant 0 : i32
        %dma_wait3A_871 = tpu.memref_slice %arg18[%dma_wait3A_869, %dma_wait3A_870] : memref<10008x128xf32, #tpu.memory_space<vmem_shared>> -> memref<24x128xf32, #tpu.memory_space<vmem_shared>>
        %dma_wait3A_872 = arith.constant 0 : i32
        %dma_wait3A_873 = arith.constant 0 : i32
        %dma_wait3A_874 = tpu.memref_slice %arg16[%dma_wait3A_872, %dma_wait3A_873] : memref<24x128xf32, #tpu.memory_space<vmem>> -> memref<24x128xf32, #tpu.memory_space<vmem>>
        tpu.wait_dma2 semaphore(%run_scoped3A : memref<!tpu.dma_semaphore, #tpu.memory_space<semaphore_mem>>) src(%dma_wait3A_874 : memref<24x128xf32, #tpu.memory_space<vmem>>) dst(%dma_wait3A_871 : memref<24x128xf32, #tpu.memory_space<vmem_shared>>)
        tpu.yield
      }) : () -> ()
    } else {
    }
    %scan3A_809 = arith.constant 0 : i32
    %scan3A_810 = arith.constant 0 : i32
    %scan3A_811 = arith.constant 626 : i32
    %scan3A_812 = arith.addi %scan3A_810, %scan3A_811 : i32
    %scan3A_813 = arith.constant 1 : i32
    scf.for %scan3A_851 = %scan3A_810 to %scan3A_812 step %scan3A_813  : i32 {
      %mul3A_852 = arith.constant 16 : i32
      %mul3A_853 = arith.muli %scan3A_851, %mul3A_852 : i32
      %swap3A_854 = arith.index_cast %mul3A_853 : i32 to index
      %swap3A_855 = tpu.vector_load %arg17[%swap3A_854] {strides = array<i32>} : memref<10016xf32, #tpu.memory_space<vmem>>, vector<16xf32>,
      tpu.vector_store %arg17[%swap3A_854], %broadcast_in_dim3A_34 {strides = array<i32>} : memref<10016xf32, #tpu.memory_space<vmem>>, vector<16xf32>,
    }
    %scan3A_814 = arith.constant 626 : i32
    %barrier3A = arith.constant 0 : index
    tpu.barrier barrier_id(%barrier3A)
    %broadcast_in_dim3A_815 = arith.constant 1.000000e+00 : f32
    %broadcast_in_dim3A_816 = vector.broadcast %broadcast_in_dim3A_815 : f32 to vector<16xf32>
    %scan3A_817 = arith.constant 0 : i32
    %scan3A_818 = arith.constant 0 : i32
    %scan3A_819 = arith.constant 31 : i32
    %scan3A_820 = arith.addi %scan3A_818, %scan3A_819 : i32
    %scan3A_821 = arith.constant 1 : i32
    scf.for %scan3A_851 = %scan3A_818 to %scan3A_820 step %scan3A_821  : i32 {
      %mul3A_852 = arith.constant 4 : i32
      %mul3A_853 = arith.muli %mul3A_852, %scan3A_851 : i32
      %mul3A_854 = arith.constant 80 : i32
      %mul3A_855 = arith.muli %mul3A_853, %mul3A_854 : i32
      %add3A_856 = arith.addi %mul3A_2, %mul3A_855 : i32
      %dma_wait3A_857 = tpu.memref_slice %arg3[%add3A_856] : memref<320000xi32, #tpu.memory_space<hbm>> -> memref<80xi32, #tpu.memory_space<hbm>>
      %dma_wait3A_858 = tpu.memref_slice %arg3[%add3A_856] : memref<320000xi32, #tpu.memory_space<hbm>> -> memref<80xi32, #tpu.memory_space<hbm>>
      tpu.wait_dma2 semaphore(%arg19 : memref<!tpu.dma_semaphore, #tpu.memory_space<semaphore_mem>>) src(%dma_wait3A_858 : memref<80xi32, #tpu.memory_space<hbm>>) dst(%arg7 : memref<80xi32, #tpu.memory_space<vmem>>)
      %mul3A_859 = arith.constant 80 : i32
      %mul3A_860 = arith.muli %mul3A_853, %mul3A_859 : i32
      %add3A_861 = arith.addi %mul3A_2, %mul3A_860 : i32
      %dma_wait3A_862 = tpu.memref_slice %arg4[%add3A_861] : memref<320000xi32, #tpu.memory_space<hbm>> -> memref<80xi32, #tpu.memory_space<hbm>>
      %dma_wait3A_863 = tpu.memref_slice %arg4[%add3A_861] : memref<320000xi32, #tpu.memory_space<hbm>> -> memref<80xi32, #tpu.memory_space<hbm>>
      tpu.wait_dma2 semaphore(%arg19 : memref<!tpu.dma_semaphore, #tpu.memory_space<semaphore_mem>>) src(%dma_wait3A_863 : memref<80xi32, #tpu.memory_space<hbm>>) dst(%arg11 : memref<80xi32, #tpu.memory_space<vmem>>)
      %dma_start3A_864 = arith.constant 0 : i32
      %dma_start3A_865 = arith.constant 0 : i32
      %dma_start3A_866 = tpu.memref_slice %arg2[%dma_start3A_864, %dma_start3A_865] : memref<10000x128xf32, #tpu.memory_space<hbm>> -> memref<10000x128xf32, #tpu.memory_space<hbm>>
      tpu.enqueue_indirect_dma source(%dma_start3A_866 : memref<10000x128xf32, #tpu.memory_space<hbm>>) target(%arg15 : memref<80x128xf32, #tpu.memory_space<vmem>>) offsets(%arg7 : memref<80xi32, #tpu.memory_space<vmem>>) semaphore(%arg23 : memref<!tpu.dma_semaphore, #tpu.memory_space<semaphore_mem>>)
      %dma_wait3A_867 = arith.constant 0 : i32
      %dma_wait3A_868 = arith.constant 0 : i32
      %dma_wait3A_869 = tpu.memref_slice %arg2[%dma_wait3A_867, %dma_wait3A_868] : memref<10000x128xf32, #tpu.memory_space<hbm>> -> memref<10000x128xf32, #tpu.memory_space<hbm>>
      tpu.wait_indirect_dma semaphore(%arg23 : memref<!tpu.dma_semaphore, #tpu.memory_space<semaphore_mem>>) src(%dma_wait3A_869 : memref<10000x128xf32, #tpu.memory_space<hbm>>) dst(%arg15 : memref<80x128xf32, #tpu.memory_space<vmem>>)
      "tpu.region"() ({
        %run_scoped3A = tpu.sem_alloc : memref<!tpu.dma_semaphore, #tpu.memory_space<semaphore_mem>>
        %dma_start3A_991 = arith.constant 0 : i32
        %dma_start3A_992 = arith.constant 0 : i32
        %dma_start3A_993 = tpu.memref_slice %arg18[%dma_start3A_991, %dma_start3A_992] : memref<10008x128xf32, #tpu.memory_space<vmem_shared>> -> memref<10008x128xf32, #tpu.memory_space<vmem_shared>>
        tpu.enqueue_indirect_dma source(%arg15 : memref<80x128xf32, #tpu.memory_space<vmem>>) target(%dma_start3A_993 : memref<10008x128xf32, #tpu.memory_space<vmem_shared>>) offsets(%arg11 : memref<80xi32, #tpu.memory_space<vmem>>) semaphore(%run_scoped3A : memref<!tpu.dma_semaphore, #tpu.memory_space<semaphore_mem>>) {add = true}
        %dma_wait3A_994 = arith.constant 0 : i32
        %dma_wait3A_995 = arith.constant 0 : i32
        %dma_wait3A_996 = tpu.memref_slice %arg18[%dma_wait3A_994, %dma_wait3A_995] : memref<10008x128xf32, #tpu.memory_space<vmem_shared>> -> memref<10008x128xf32, #tpu.memory_space<vmem_shared>>
        tpu.wait_indirect_dma semaphore(%run_scoped3A : memref<!tpu.dma_semaphore, #tpu.memory_space<semaphore_mem>>) src(%arg15 : memref<80x128xf32, #tpu.memory_space<vmem>>) dst(%dma_wait3A_996 : memref<10008x128xf32, #tpu.memory_space<vmem_shared>>)
        tpu.yield
      }) : () -> ()
      %get3A_870 = arith.constant 0 : index
      %get3A_871 = tpu.vector_load %arg11[%get3A_870] {strides = array<i32>} : memref<80xi32, #tpu.memory_space<vmem>>, vector<16xi32>,
      tpu.vector_store_idx %arg17[%get3A_871], %broadcast_in_dim3A_816 {add = true} : memref<10016xf32, #tpu.memory_space<vmem>>[vector<16xi32>], vector<16xf32>,
      %get3A_872 = arith.constant 16 : index
      %get3A_873 = tpu.vector_load %arg11[%get3A_872] {strides = array<i32>} : memref<80xi32, #tpu.memory_space<vmem>>, vector<16xi32>,
      tpu.vector_store_idx %arg17[%get3A_873], %broadcast_in_dim3A_816 {add = true} : memref<10016xf32, #tpu.memory_space<vmem>>[vector<16xi32>], vector<16xf32>,
      %get3A_874 = arith.constant 32 : index
      %get3A_875 = tpu.vector_load %arg11[%get3A_874] {strides = array<i32>} : memref<80xi32, #tpu.memory_space<vmem>>, vector<16xi32>,
      tpu.vector_store_idx %arg17[%get3A_875], %broadcast_in_dim3A_816 {add = true} : memref<10016xf32, #tpu.memory_space<vmem>>[vector<16xi32>], vector<16xf32>,
      %get3A_876 = arith.constant 48 : index
      %get3A_877 = tpu.vector_load %arg11[%get3A_876] {strides = array<i32>} : memref<80xi32, #tpu.memory_space<vmem>>, vector<16xi32>,
      tpu.vector_store_idx %arg17[%get3A_877], %broadcast_in_dim3A_816 {add = true} : memref<10016xf32, #tpu.memory_space<vmem>>[vector<16xi32>], vector<16xf32>,
      %get3A_878 = arith.constant 64 : index
      %get3A_879 = tpu.vector_load %arg11[%get3A_878] {strides = array<i32>} : memref<80xi32, #tpu.memory_space<vmem>>, vector<16xi32>,
      tpu.vector_store_idx %arg17[%get3A_879], %broadcast_in_dim3A_816 {add = true} : memref<10016xf32, #tpu.memory_space<vmem>>[vector<16xi32>], vector<16xf32>,
      %add3A_880 = arith.constant 4 : i32
      %add3A_881 = arith.addi %mul3A_853, %add3A_880 : i32
      %lt3A = arith.constant 125 : i32
      %lt3A_882 = arith.cmpi slt, %add3A_881, %lt3A : i32
      %convert_element_type3A_883 = arith.extui %lt3A_882 : i1 to i32
      %cond3A_884 = arith.constant 0 : i32
      %cond3A_885 = arith.cmpi ne, %convert_element_type3A_883, %cond3A_884 : i32
      scf.if %cond3A_885 {
        %add3A_991 = arith.constant 4 : i32
        %add3A_992 = arith.addi %mul3A_853, %add3A_991 : i32
        %mul3A_993 = arith.constant 80 : i32
        %mul3A_994 = arith.muli %add3A_992, %mul3A_993 : i32
        %add3A_995 = arith.addi %mul3A_2, %mul3A_994 : i32
        %dma_start3A_996 = tpu.memref_slice %arg3[%add3A_995] : memref<320000xi32, #tpu.memory_space<hbm>> -> memref<80xi32, #tpu.memory_space<hbm>>
        %dma_start3A_997 = tpu.memref_slice %arg3[%add3A_995] : memref<320000xi32, #tpu.memory_space<hbm>> -> memref<80xi32, #tpu.memory_space<hbm>>
        tpu.enqueue_dma source(%dma_start3A_997 : memref<80xi32, #tpu.memory_space<hbm>>) target(%arg7 : memref<80xi32, #tpu.memory_space<vmem>>) target_semaphore(%arg19 : memref<!tpu.dma_semaphore, #tpu.memory_space<semaphore_mem>>)
        %mul3A_998 = arith.constant 80 : i32
        %mul3A_999 = arith.muli %add3A_992, %mul3A_998 : i32
        %add3A_1000 = arith.addi %mul3A_2, %mul3A_999 : i32
        %dma_start3A_1001 = tpu.memref_slice %arg4[%add3A_1000] : memref<320000xi32, #tpu.memory_space<hbm>> -> memref<80xi32, #tpu.memory_space<hbm>>
        %dma_start3A_1002 = tpu.memref_slice %arg4[%add3A_1000] : memref<320000xi32, #tpu.memory_space<hbm>> -> memref<80xi32, #tpu.memory_space<hbm>>
        tpu.enqueue_dma source(%dma_start3A_1002 : memref<80xi32, #tpu.memory_space<hbm>>) target(%arg11 : memref<80xi32, #tpu.memory_space<vmem>>) target_semaphore(%arg19 : memref<!tpu.dma_semaphore, #tpu.memory_space<semaphore_mem>>)
      } else {
      }
      %add3A_886 = arith.constant 1 : i32
      %add3A_887 = arith.addi %mul3A_853, %add3A_886 : i32
      %mul3A_888 = arith.constant 80 : i32
      %mul3A_889 = arith.muli %add3A_887, %mul3A_888 : i32
      %add3A_890 = arith.addi %mul3A_2, %mul3A_889 : i32
      %dma_wait3A_891 = tpu.memref_slice %arg3[%add3A_890] : memref<320000xi32, #tpu.memory_space<hbm>> -> memref<80xi32, #tpu.memory_space<hbm>>
      %dma_wait3A_892 = tpu.memref_slice %arg3[%add3A_890] : memref<320000xi32, #tpu.memory_space<hbm>> -> memref<80xi32, #tpu.memory_space<hbm>>
      tpu.wait_dma2 semaphore(%arg20 : memref<!tpu.dma_semaphore, #tpu.memory_space<semaphore_mem>>) src(%dma_wait3A_892 : memref<80xi32, #tpu.memory_space<hbm>>) dst(%arg8 : memref<80xi32, #tpu.memory_space<vmem>>)
      %mul3A_893 = arith.constant 80 : i32
      %mul3A_894 = arith.muli %add3A_887, %mul3A_893 : i32
      %add3A_895 = arith.addi %mul3A_2, %mul3A_894 : i32
      %dma_wait3A_896 = tpu.memref_slice %arg4[%add3A_895] : memref<320000xi32, #tpu.memory_space<hbm>> -> memref<80xi32, #tpu.memory_space<hbm>>
      %dma_wait3A_897 = tpu.memref_slice %arg4[%add3A_895] : memref<320000xi32, #tpu.memory_space<hbm>> -> memref<80xi32, #tpu.memory_space<hbm>>
      tpu.wait_dma2 semaphore(%arg20 : memref<!tpu.dma_semaphore, #tpu.memory_space<semaphore_mem>>) src(%dma_wait3A_897 : memref<80xi32, #tpu.memory_space<hbm>>) dst(%arg12 : memref<80xi32, #tpu.memory_space<vmem>>)
      %dma_start3A_898 = arith.constant 0 : i32
      %dma_start3A_899 = arith.constant 0 : i32
      %dma_start3A_900 = tpu.memref_slice %arg2[%dma_start3A_898, %dma_start3A_899] : memref<10000x128xf32, #tpu.memory_space<hbm>> -> memref<10000x128xf32, #tpu.memory_space<hbm>>
      tpu.enqueue_indirect_dma source(%dma_start3A_900 : memref<10000x128xf32, #tpu.memory_space<hbm>>) target(%arg15 : memref<80x128xf32, #tpu.memory_space<vmem>>) offsets(%arg8 : memref<80xi32, #tpu.memory_space<vmem>>) semaphore(%arg23 : memref<!tpu.dma_semaphore, #tpu.memory_space<semaphore_mem>>)
      %dma_wait3A_901 = arith.constant 0 : i32
      %dma_wait3A_902 = arith.constant 0 : i32
      %dma_wait3A_903 = tpu.memref_slice %arg2[%dma_wait3A_901, %dma_wait3A_902] : memref<10000x128xf32, #tpu.memory_space<hbm>> -> memref<10000x128xf32, #tpu.memory_space<hbm>>
      tpu.wait_indirect_dma semaphore(%arg23 : memref<!tpu.dma_semaphore, #tpu.memory_space<semaphore_mem>>) src(%dma_wait3A_903 : memref<10000x128xf32, #tpu.memory_space<hbm>>) dst(%arg15 : memref<80x128xf32, #tpu.memory_space<vmem>>)
      "tpu.region"() ({
        %run_scoped3A = tpu.sem_alloc : memref<!tpu.dma_semaphore, #tpu.memory_space<semaphore_mem>>
        %dma_start3A_991 = arith.constant 0 : i32
        %dma_start3A_992 = arith.constant 0 : i32
        %dma_start3A_993 = tpu.memref_slice %arg18[%dma_start3A_991, %dma_start3A_992] : memref<10008x128xf32, #tpu.memory_space<vmem_shared>> -> memref<10008x128xf32, #tpu.memory_space<vmem_shared>>
        tpu.enqueue_indirect_dma source(%arg15 : memref<80x128xf32, #tpu.memory_space<vmem>>) target(%dma_start3A_993 : memref<10008x128xf32, #tpu.memory_space<vmem_shared>>) offsets(%arg12 : memref<80xi32, #tpu.memory_space<vmem>>) semaphore(%run_scoped3A : memref<!tpu.dma_semaphore, #tpu.memory_space<semaphore_mem>>) {add = true}
        %dma_wait3A_994 = arith.constant 0 : i32
        %dma_wait3A_995 = arith.constant 0 : i32
        %dma_wait3A_996 = tpu.memref_slice %arg18[%dma_wait3A_994, %dma_wait3A_995] : memref<10008x128xf32, #tpu.memory_space<vmem_shared>> -> memref<10008x128xf32, #tpu.memory_space<vmem_shared>>
        tpu.wait_indirect_dma semaphore(%run_scoped3A : memref<!tpu.dma_semaphore, #tpu.memory_space<semaphore_mem>>) src(%arg15 : memref<80x128xf32, #tpu.memory_space<vmem>>) dst(%dma_wait3A_996 : memref<10008x128xf32, #tpu.memory_space<vmem_shared>>)
        tpu.yield
      }) : () -> ()
      %get3A_904 = arith.constant 0 : index
      %get3A_905 = tpu.vector_load %arg12[%get3A_904] {strides = array<i32>} : memref<80xi32, #tpu.memory_space<vmem>>, vector<16xi32>,
      tpu.vector_store_idx %arg17[%get3A_905], %broadcast_in_dim3A_816 {add = true} : memref<10016xf32, #tpu.memory_space<vmem>>[vector<16xi32>], vector<16xf32>,
      %get3A_906 = arith.constant 16 : index
      %get3A_907 = tpu.vector_load %arg12[%get3A_906] {strides = array<i32>} : memref<80xi32, #tpu.memory_space<vmem>>, vector<16xi32>,
      tpu.vector_store_idx %arg17[%get3A_907], %broadcast_in_dim3A_816 {add = true} : memref<10016xf32, #tpu.memory_space<vmem>>[vector<16xi32>], vector<16xf32>,
      %get3A_908 = arith.constant 32 : index
      %get3A_909 = tpu.vector_load %arg12[%get3A_908] {strides = array<i32>} : memref<80xi32, #tpu.memory_space<vmem>>, vector<16xi32>,
      tpu.vector_store_idx %arg17[%get3A_909], %broadcast_in_dim3A_816 {add = true} : memref<10016xf32, #tpu.memory_space<vmem>>[vector<16xi32>], vector<16xf32>,
      %get3A_910 = arith.constant 48 : index
      %get3A_911 = tpu.vector_load %arg12[%get3A_910] {strides = array<i32>} : memref<80xi32, #tpu.memory_space<vmem>>, vector<16xi32>,
      tpu.vector_store_idx %arg17[%get3A_911], %broadcast_in_dim3A_816 {add = true} : memref<10016xf32, #tpu.memory_space<vmem>>[vector<16xi32>], vector<16xf32>,
      %get3A_912 = arith.constant 64 : index
      %get3A_913 = tpu.vector_load %arg12[%get3A_912] {strides = array<i32>} : memref<80xi32, #tpu.memory_space<vmem>>, vector<16xi32>,
      tpu.vector_store_idx %arg17[%get3A_913], %broadcast_in_dim3A_816 {add = true} : memref<10016xf32, #tpu.memory_space<vmem>>[vector<16xi32>], vector<16xf32>,
      %add3A_914 = arith.constant 4 : i32
      %add3A_915 = arith.addi %add3A_887, %add3A_914 : i32
      %lt3A_916 = arith.constant 125 : i32
      %lt3A_917 = arith.cmpi slt, %add3A_915, %lt3A_916 : i32
      %convert_element_type3A_918 = arith.extui %lt3A_917 : i1 to i32
      %cond3A_919 = arith.constant 0 : i32
      %cond3A_920 = arith.cmpi ne, %convert_element_type3A_918, %cond3A_919 : i32
      scf.if %cond3A_920 {
        %add3A_991 = arith.constant 4 : i32
        %add3A_992 = arith.addi %add3A_887, %add3A_991 : i32
        %mul3A_993 = arith.constant 80 : i32
        %mul3A_994 = arith.muli %add3A_992, %mul3A_993 : i32
        %add3A_995 = arith.addi %mul3A_2, %mul3A_994 : i32
        %dma_start3A_996 = tpu.memref_slice %arg3[%add3A_995] : memref<320000xi32, #tpu.memory_space<hbm>> -> memref<80xi32, #tpu.memory_space<hbm>>
        %dma_start3A_997 = tpu.memref_slice %arg3[%add3A_995] : memref<320000xi32, #tpu.memory_space<hbm>> -> memref<80xi32, #tpu.memory_space<hbm>>
        tpu.enqueue_dma source(%dma_start3A_997 : memref<80xi32, #tpu.memory_space<hbm>>) target(%arg8 : memref<80xi32, #tpu.memory_space<vmem>>) target_semaphore(%arg20 : memref<!tpu.dma_semaphore, #tpu.memory_space<semaphore_mem>>)
        %mul3A_998 = arith.constant 80 : i32
        %mul3A_999 = arith.muli %add3A_992, %mul3A_998 : i32
        %add3A_1000 = arith.addi %mul3A_2, %mul3A_999 : i32
        %dma_start3A_1001 = tpu.memref_slice %arg4[%add3A_1000] : memref<320000xi32, #tpu.memory_space<hbm>> -> memref<80xi32, #tpu.memory_space<hbm>>
        %dma_start3A_1002 = tpu.memref_slice %arg4[%add3A_1000] : memref<320000xi32, #tpu.memory_space<hbm>> -> memref<80xi32, #tpu.memory_space<hbm>>
        tpu.enqueue_dma source(%dma_start3A_1002 : memref<80xi32, #tpu.memory_space<hbm>>) target(%arg12 : memref<80xi32, #tpu.memory_space<vmem>>) target_semaphore(%arg20 : memref<!tpu.dma_semaphore, #tpu.memory_space<semaphore_mem>>)
      } else {
      }
      %add3A_921 = arith.constant 2 : i32
      %add3A_922 = arith.addi %mul3A_853, %add3A_921 : i32
      %mul3A_923 = arith.constant 80 : i32
      %mul3A_924 = arith.muli %add3A_922, %mul3A_923 : i32
      %add3A_925 = arith.addi %mul3A_2, %mul3A_924 : i32
      %dma_wait3A_926 = tpu.memref_slice %arg3[%add3A_925] : memref<320000xi32, #tpu.memory_space<hbm>> -> memref<80xi32, #tpu.memory_space<hbm>>
      %dma_wait3A_927 = tpu.memref_slice %arg3[%add3A_925] : memref<320000xi32, #tpu.memory_space<hbm>> -> memref<80xi32, #tpu.memory_space<hbm>>
      tpu.wait_dma2 semaphore(%arg21 : memref<!tpu.dma_semaphore, #tpu.memory_space<semaphore_mem>>) src(%dma_wait3A_927 : memref<80xi32, #tpu.memory_space<hbm>>) dst(%arg9 : memref<80xi32, #tpu.memory_space<vmem>>)
      %mul3A_928 = arith.constant 80 : i32
      %mul3A_929 = arith.muli %add3A_922, %mul3A_928 : i32
      %add3A_930 = arith.addi %mul3A_2, %mul3A_929 : i32
      %dma_wait3A_931 = tpu.memref_slice %arg4[%add3A_930] : memref<320000xi32, #tpu.memory_space<hbm>> -> memref<80xi32, #tpu.memory_space<hbm>>
      %dma_wait3A_932 = tpu.memref_slice %arg4[%add3A_930] : memref<320000xi32, #tpu.memory_space<hbm>> -> memref<80xi32, #tpu.memory_space<hbm>>
      tpu.wait_dma2 semaphore(%arg21 : memref<!tpu.dma_semaphore, #tpu.memory_space<semaphore_mem>>) src(%dma_wait3A_932 : memref<80xi32, #tpu.memory_space<hbm>>) dst(%arg13 : memref<80xi32, #tpu.memory_space<vmem>>)
      %dma_start3A_933 = arith.constant 0 : i32
      %dma_start3A_934 = arith.constant 0 : i32
      %dma_start3A_935 = tpu.memref_slice %arg2[%dma_start3A_933, %dma_start3A_934] : memref<10000x128xf32, #tpu.memory_space<hbm>> -> memref<10000x128xf32, #tpu.memory_space<hbm>>
      tpu.enqueue_indirect_dma source(%dma_start3A_935 : memref<10000x128xf32, #tpu.memory_space<hbm>>) target(%arg15 : memref<80x128xf32, #tpu.memory_space<vmem>>) offsets(%arg9 : memref<80xi32, #tpu.memory_space<vmem>>) semaphore(%arg23 : memref<!tpu.dma_semaphore, #tpu.memory_space<semaphore_mem>>)
      %dma_wait3A_936 = arith.constant 0 : i32
      %dma_wait3A_937 = arith.constant 0 : i32
      %dma_wait3A_938 = tpu.memref_slice %arg2[%dma_wait3A_936, %dma_wait3A_937] : memref<10000x128xf32, #tpu.memory_space<hbm>> -> memref<10000x128xf32, #tpu.memory_space<hbm>>
      tpu.wait_indirect_dma semaphore(%arg23 : memref<!tpu.dma_semaphore, #tpu.memory_space<semaphore_mem>>) src(%dma_wait3A_938 : memref<10000x128xf32, #tpu.memory_space<hbm>>) dst(%arg15 : memref<80x128xf32, #tpu.memory_space<vmem>>)
      "tpu.region"() ({
        %run_scoped3A = tpu.sem_alloc : memref<!tpu.dma_semaphore, #tpu.memory_space<semaphore_mem>>
        %dma_start3A_991 = arith.constant 0 : i32
        %dma_start3A_992 = arith.constant 0 : i32
        %dma_start3A_993 = tpu.memref_slice %arg18[%dma_start3A_991, %dma_start3A_992] : memref<10008x128xf32, #tpu.memory_space<vmem_shared>> -> memref<10008x128xf32, #tpu.memory_space<vmem_shared>>
        tpu.enqueue_indirect_dma source(%arg15 : memref<80x128xf32, #tpu.memory_space<vmem>>) target(%dma_start3A_993 : memref<10008x128xf32, #tpu.memory_space<vmem_shared>>) offsets(%arg13 : memref<80xi32, #tpu.memory_space<vmem>>) semaphore(%run_scoped3A : memref<!tpu.dma_semaphore, #tpu.memory_space<semaphore_mem>>) {add = true}
        %dma_wait3A_994 = arith.constant 0 : i32
        %dma_wait3A_995 = arith.constant 0 : i32
        %dma_wait3A_996 = tpu.memref_slice %arg18[%dma_wait3A_994, %dma_wait3A_995] : memref<10008x128xf32, #tpu.memory_space<vmem_shared>> -> memref<10008x128xf32, #tpu.memory_space<vmem_shared>>
        tpu.wait_indirect_dma semaphore(%run_scoped3A : memref<!tpu.dma_semaphore, #tpu.memory_space<semaphore_mem>>) src(%arg15 : memref<80x128xf32, #tpu.memory_space<vmem>>) dst(%dma_wait3A_996 : memref<10008x128xf32, #tpu.memory_space<vmem_shared>>)
        tpu.yield
      }) : () -> ()
      %get3A_939 = arith.constant 0 : index
      %get3A_940 = tpu.vector_load %arg13[%get3A_939] {strides = array<i32>} : memref<80xi32, #tpu.memory_space<vmem>>, vector<16xi32>,
      tpu.vector_store_idx %arg17[%get3A_940], %broadcast_in_dim3A_816 {add = true} : memref<10016xf32, #tpu.memory_space<vmem>>[vector<16xi32>], vector<16xf32>,
      %get3A_941 = arith.constant 16 : index
      %get3A_942 = tpu.vector_load %arg13[%get3A_941] {strides = array<i32>} : memref<80xi32, #tpu.memory_space<vmem>>, vector<16xi32>,
      tpu.vector_store_idx %arg17[%get3A_942], %broadcast_in_dim3A_816 {add = true} : memref<10016xf32, #tpu.memory_space<vmem>>[vector<16xi32>], vector<16xf32>,
      %get3A_943 = arith.constant 32 : index
      %get3A_944 = tpu.vector_load %arg13[%get3A_943] {strides = array<i32>} : memref<80xi32, #tpu.memory_space<vmem>>, vector<16xi32>,
      tpu.vector_store_idx %arg17[%get3A_944], %broadcast_in_dim3A_816 {add = true} : memref<10016xf32, #tpu.memory_space<vmem>>[vector<16xi32>], vector<16xf32>,
      %get3A_945 = arith.constant 48 : index
      %get3A_946 = tpu.vector_load %arg13[%get3A_945] {strides = array<i32>} : memref<80xi32, #tpu.memory_space<vmem>>, vector<16xi32>,
      tpu.vector_store_idx %arg17[%get3A_946], %broadcast_in_dim3A_816 {add = true} : memref<10016xf32, #tpu.memory_space<vmem>>[vector<16xi32>], vector<16xf32>,
      %get3A_947 = arith.constant 64 : index
      %get3A_948 = tpu.vector_load %arg13[%get3A_947] {strides = array<i32>} : memref<80xi32, #tpu.memory_space<vmem>>, vector<16xi32>,
      tpu.vector_store_idx %arg17[%get3A_948], %broadcast_in_dim3A_816 {add = true} : memref<10016xf32, #tpu.memory_space<vmem>>[vector<16xi32>], vector<16xf32>,
      %add3A_949 = arith.constant 4 : i32
      %add3A_950 = arith.addi %add3A_922, %add3A_949 : i32
      %lt3A_951 = arith.constant 125 : i32
      %lt3A_952 = arith.cmpi slt, %add3A_950, %lt3A_951 : i32
      %convert_element_type3A_953 = arith.extui %lt3A_952 : i1 to i32
      %cond3A_954 = arith.constant 0 : i32
      %cond3A_955 = arith.cmpi ne, %convert_element_type3A_953, %cond3A_954 : i32
      scf.if %cond3A_955 {
        %add3A_991 = arith.constant 4 : i32
        %add3A_992 = arith.addi %add3A_922, %add3A_991 : i32
        %mul3A_993 = arith.constant 80 : i32
        %mul3A_994 = arith.muli %add3A_992, %mul3A_993 : i32
        %add3A_995 = arith.addi %mul3A_2, %mul3A_994 : i32
        %dma_start3A_996 = tpu.memref_slice %arg3[%add3A_995] : memref<320000xi32, #tpu.memory_space<hbm>> -> memref<80xi32, #tpu.memory_space<hbm>>
        %dma_start3A_997 = tpu.memref_slice %arg3[%add3A_995] : memref<320000xi32, #tpu.memory_space<hbm>> -> memref<80xi32, #tpu.memory_space<hbm>>
        tpu.enqueue_dma source(%dma_start3A_997 : memref<80xi32, #tpu.memory_space<hbm>>) target(%arg9 : memref<80xi32, #tpu.memory_space<vmem>>) target_semaphore(%arg21 : memref<!tpu.dma_semaphore, #tpu.memory_space<semaphore_mem>>)
        %mul3A_998 = arith.constant 80 : i32
        %mul3A_999 = arith.muli %add3A_992, %mul3A_998 : i32
        %add3A_1000 = arith.addi %mul3A_2, %mul3A_999 : i32
        %dma_start3A_1001 = tpu.memref_slice %arg4[%add3A_1000] : memref<320000xi32, #tpu.memory_space<hbm>> -> memref<80xi32, #tpu.memory_space<hbm>>
        %dma_start3A_1002 = tpu.memref_slice %arg4[%add3A_1000] : memref<320000xi32, #tpu.memory_space<hbm>> -> memref<80xi32, #tpu.memory_space<hbm>>
        tpu.enqueue_dma source(%dma_start3A_1002 : memref<80xi32, #tpu.memory_space<hbm>>) target(%arg13 : memref<80xi32, #tpu.memory_space<vmem>>) target_semaphore(%arg21 : memref<!tpu.dma_semaphore, #tpu.memory_space<semaphore_mem>>)
      } else {
      }
      %add3A_956 = arith.constant 3 : i32
      %add3A_957 = arith.addi %mul3A_853, %add3A_956 : i32
      %mul3A_958 = arith.constant 80 : i32
      %mul3A_959 = arith.muli %add3A_957, %mul3A_958 : i32
      %add3A_960 = arith.addi %mul3A_2, %mul3A_959 : i32
      %dma_wait3A_961 = tpu.memref_slice %arg3[%add3A_960] : memref<320000xi32, #tpu.memory_space<hbm>> -> memref<80xi32, #tpu.memory_space<hbm>>
      %dma_wait3A_962 = tpu.memref_slice %arg3[%add3A_960] : memref<320000xi32, #tpu.memory_space<hbm>> -> memref<80xi32, #tpu.memory_space<hbm>>
      tpu.wait_dma2 semaphore(%arg22 : memref<!tpu.dma_semaphore, #tpu.memory_space<semaphore_mem>>) src(%dma_wait3A_962 : memref<80xi32, #tpu.memory_space<hbm>>) dst(%arg10 : memref<80xi32, #tpu.memory_space<vmem>>)
      %mul3A_963 = arith.constant 80 : i32
      %mul3A_964 = arith.muli %add3A_957, %mul3A_963 : i32
      %add3A_965 = arith.addi %mul3A_2, %mul3A_964 : i32
      %dma_wait3A_966 = tpu.memref_slice %arg4[%add3A_965] : memref<320000xi32, #tpu.memory_space<hbm>> -> memref<80xi32, #tpu.memory_space<hbm>>
      %dma_wait3A_967 = tpu.memref_slice %arg4[%add3A_965] : memref<320000xi32, #tpu.memory_space<hbm>> -> memref<80xi32, #tpu.memory_space<hbm>>
      tpu.wait_dma2 semaphore(%arg22 : memref<!tpu.dma_semaphore, #tpu.memory_space<semaphore_mem>>) src(%dma_wait3A_967 : memref<80xi32, #tpu.memory_space<hbm>>) dst(%arg14 : memref<80xi32, #tpu.memory_space<vmem>>)
      %dma_start3A_968 = arith.constant 0 : i32
      %dma_start3A_969 = arith.constant 0 : i32
      %dma_start3A_970 = tpu.memref_slice %arg2[%dma_start3A_968, %dma_start3A_969] : memref<10000x128xf32, #tpu.memory_space<hbm>> -> memref<10000x128xf32, #tpu.memory_space<hbm>>
      tpu.enqueue_indirect_dma source(%dma_start3A_970 : memref<10000x128xf32, #tpu.memory_space<hbm>>) target(%arg15 : memref<80x128xf32, #tpu.memory_space<vmem>>) offsets(%arg10 : memref<80xi32, #tpu.memory_space<vmem>>) semaphore(%arg23 : memref<!tpu.dma_semaphore, #tpu.memory_space<semaphore_mem>>)
      %dma_wait3A_971 = arith.constant 0 : i32
      %dma_wait3A_972 = arith.constant 0 : i32
      %dma_wait3A_973 = tpu.memref_slice %arg2[%dma_wait3A_971, %dma_wait3A_972] : memref<10000x128xf32, #tpu.memory_space<hbm>> -> memref<10000x128xf32, #tpu.memory_space<hbm>>
      tpu.wait_indirect_dma semaphore(%arg23 : memref<!tpu.dma_semaphore, #tpu.memory_space<semaphore_mem>>) src(%dma_wait3A_973 : memref<10000x128xf32, #tpu.memory_space<hbm>>) dst(%arg15 : memref<80x128xf32, #tpu.memory_space<vmem>>)
      "tpu.region"() ({
        %run_scoped3A = tpu.sem_alloc : memref<!tpu.dma_semaphore, #tpu.memory_space<semaphore_mem>>
        %dma_start3A_991 = arith.constant 0 : i32
        %dma_start3A_992 = arith.constant 0 : i32
        %dma_start3A_993 = tpu.memref_slice %arg18[%dma_start3A_991, %dma_start3A_992] : memref<10008x128xf32, #tpu.memory_space<vmem_shared>> -> memref<10008x128xf32, #tpu.memory_space<vmem_shared>>
        tpu.enqueue_indirect_dma source(%arg15 : memref<80x128xf32, #tpu.memory_space<vmem>>) target(%dma_start3A_993 : memref<10008x128xf32, #tpu.memory_space<vmem_shared>>) offsets(%arg14 : memref<80xi32, #tpu.memory_space<vmem>>) semaphore(%run_scoped3A : memref<!tpu.dma_semaphore, #tpu.memory_space<semaphore_mem>>) {add = true}
        %dma_wait3A_994 = arith.constant 0 : i32
        %dma_wait3A_995 = arith.constant 0 : i32
        %dma_wait3A_996 = tpu.memref_slice %arg18[%dma_wait3A_994, %dma_wait3A_995] : memref<10008x128xf32, #tpu.memory_space<vmem_shared>> -> memref<10008x128xf32, #tpu.memory_space<vmem_shared>>
        tpu.wait_indirect_dma semaphore(%run_scoped3A : memref<!tpu.dma_semaphore, #tpu.memory_space<semaphore_mem>>) src(%arg15 : memref<80x128xf32, #tpu.memory_space<vmem>>) dst(%dma_wait3A_996 : memref<10008x128xf32, #tpu.memory_space<vmem_shared>>)
        tpu.yield
      }) : () -> ()
      %get3A_974 = arith.constant 0 : index
      %get3A_975 = tpu.vector_load %arg14[%get3A_974] {strides = array<i32>} : memref<80xi32, #tpu.memory_space<vmem>>, vector<16xi32>,
      tpu.vector_store_idx %arg17[%get3A_975], %broadcast_in_dim3A_816 {add = true} : memref<10016xf32, #tpu.memory_space<vmem>>[vector<16xi32>], vector<16xf32>,
      %get3A_976 = arith.constant 16 : index
      %get3A_977 = tpu.vector_load %arg14[%get3A_976] {strides = array<i32>} : memref<80xi32, #tpu.memory_space<vmem>>, vector<16xi32>,
      tpu.vector_store_idx %arg17[%get3A_977], %broadcast_in_dim3A_816 {add = true} : memref<10016xf32, #tpu.memory_space<vmem>>[vector<16xi32>], vector<16xf32>,
      %get3A_978 = arith.constant 32 : index
      %get3A_979 = tpu.vector_load %arg14[%get3A_978] {strides = array<i32>} : memref<80xi32, #tpu.memory_space<vmem>>, vector<16xi32>,
      tpu.vector_store_idx %arg17[%get3A_979], %broadcast_in_dim3A_816 {add = true} : memref<10016xf32, #tpu.memory_space<vmem>>[vector<16xi32>], vector<16xf32>,
      %get3A_980 = arith.constant 48 : index
      %get3A_981 = tpu.vector_load %arg14[%get3A_980] {strides = array<i32>} : memref<80xi32, #tpu.memory_space<vmem>>, vector<16xi32>,
      tpu.vector_store_idx %arg17[%get3A_981], %broadcast_in_dim3A_816 {add = true} : memref<10016xf32, #tpu.memory_space<vmem>>[vector<16xi32>], vector<16xf32>,
      %get3A_982 = arith.constant 64 : index
      %get3A_983 = tpu.vector_load %arg14[%get3A_982] {strides = array<i32>} : memref<80xi32, #tpu.memory_space<vmem>>, vector<16xi32>,
      tpu.vector_store_idx %arg17[%get3A_983], %broadcast_in_dim3A_816 {add = true} : memref<10016xf32, #tpu.memory_space<vmem>>[vector<16xi32>], vector<16xf32>,
      %add3A_984 = arith.constant 4 : i32
      %add3A_985 = arith.addi %add3A_957, %add3A_984 : i32
      %lt3A_986 = arith.constant 125 : i32
      %lt3A_987 = arith.cmpi slt, %add3A_985, %lt3A_986 : i32
      %convert_element_type3A_988 = arith.extui %lt3A_987 : i1 to i32
      %cond3A_989 = arith.constant 0 : i32
      %cond3A_990 = arith.cmpi ne, %convert_element_type3A_988, %cond3A_989 : i32
      scf.if %cond3A_990 {
        %add3A_991 = arith.constant 4 : i32
        %add3A_992 = arith.addi %add3A_957, %add3A_991 : i32
        %mul3A_993 = arith.constant 80 : i32
        %mul3A_994 = arith.muli %add3A_992, %mul3A_993 : i32
        %add3A_995 = arith.addi %mul3A_2, %mul3A_994 : i32
        %dma_start3A_996 = tpu.memref_slice %arg3[%add3A_995] : memref<320000xi32, #tpu.memory_space<hbm>> -> memref<80xi32, #tpu.memory_space<hbm>>
        %dma_start3A_997 = tpu.memref_slice %arg3[%add3A_995] : memref<320000xi32, #tpu.memory_space<hbm>> -> memref<80xi32, #tpu.memory_space<hbm>>
        tpu.enqueue_dma source(%dma_start3A_997 : memref<80xi32, #tpu.memory_space<hbm>>) target(%arg10 : memref<80xi32, #tpu.memory_space<vmem>>) target_semaphore(%arg22 : memref<!tpu.dma_semaphore, #tpu.memory_space<semaphore_mem>>)
        %mul3A_998 = arith.constant 80 : i32
        %mul3A_999 = arith.muli %add3A_992, %mul3A_998 : i32
        %add3A_1000 = arith.addi %mul3A_2, %mul3A_999 : i32
        %dma_start3A_1001 = tpu.memref_slice %arg4[%add3A_1000] : memref<320000xi32, #tpu.memory_space<hbm>> -> memref<80xi32, #tpu.memory_space<hbm>>
        %dma_start3A_1002 = tpu.memref_slice %arg4[%add3A_1000] : memref<320000xi32, #tpu.memory_space<hbm>> -> memref<80xi32, #tpu.memory_space<hbm>>
        tpu.enqueue_dma source(%dma_start3A_1002 : memref<80xi32, #tpu.memory_space<hbm>>) target(%arg14 : memref<80xi32, #tpu.memory_space<vmem>>) target_semaphore(%arg22 : memref<!tpu.dma_semaphore, #tpu.memory_space<semaphore_mem>>)
      } else {
      }
    }
    %scan3A_822 = arith.constant 31 : i32
    %add3A_823 = arith.constant 9920 : i32
    %add3A_824 = arith.addi %mul3A_2, %add3A_823 : i32
    %dma_wait3A = tpu.memref_slice %arg3[%add3A_824] : memref<320000xi32, #tpu.memory_space<hbm>> -> memref<80xi32, #tpu.memory_space<hbm>>
    %dma_wait3A_825 = tpu.memref_slice %arg3[%add3A_824] : memref<320000xi32, #tpu.memory_space<hbm>> -> memref<80xi32, #tpu.memory_space<hbm>>
    tpu.wait_dma2 semaphore(%arg19 : memref<!tpu.dma_semaphore, #tpu.memory_space<semaphore_mem>>) src(%dma_wait3A_825 : memref<80xi32, #tpu.memory_space<hbm>>) dst(%arg7 : memref<80xi32, #tpu.memory_space<vmem>>)
    %add3A_826 = arith.constant 9920 : i32
    %add3A_827 = arith.addi %mul3A_2, %add3A_826 : i32
    %dma_wait3A_828 = tpu.memref_slice %arg4[%add3A_827] : memref<320000xi32, #tpu.memory_space<hbm>> -> memref<80xi32, #tpu.memory_space<hbm>>
    %dma_wait3A_829 = tpu.memref_slice %arg4[%add3A_827] : memref<320000xi32, #tpu.memory_space<hbm>> -> memref<80xi32, #tpu.memory_space<hbm>>
    tpu.wait_dma2 semaphore(%arg19 : memref<!tpu.dma_semaphore, #tpu.memory_space<semaphore_mem>>) src(%dma_wait3A_829 : memref<80xi32, #tpu.memory_space<hbm>>) dst(%arg11 : memref<80xi32, #tpu.memory_space<vmem>>)
    %dma_start3A_830 = arith.constant 0 : i32
    %dma_start3A_831 = arith.constant 0 : i32
    %dma_start3A_832 = tpu.memref_slice %arg2[%dma_start3A_830, %dma_start3A_831] : memref<10000x128xf32, #tpu.memory_space<hbm>> -> memref<10000x128xf32, #tpu.memory_space<hbm>>
    tpu.enqueue_indirect_dma source(%dma_start3A_832 : memref<10000x128xf32, #tpu.memory_space<hbm>>) target(%arg15 : memref<80x128xf32, #tpu.memory_space<vmem>>) offsets(%arg7 : memref<80xi32, #tpu.memory_space<vmem>>) semaphore(%arg23 : memref<!tpu.dma_semaphore, #tpu.memory_space<semaphore_mem>>)
    %dma_wait3A_833 = arith.constant 0 : i32
    %dma_wait3A_834 = arith.constant 0 : i32
    %dma_wait3A_835 = tpu.memref_slice %arg2[%dma_wait3A_833, %dma_wait3A_834] : memref<10000x128xf32, #tpu.memory_space<hbm>> -> memref<10000x128xf32, #tpu.memory_space<hbm>>
    tpu.wait_indirect_dma semaphore(%arg23 : memref<!tpu.dma_semaphore, #tpu.memory_space<semaphore_mem>>) src(%dma_wait3A_835 : memref<10000x128xf32, #tpu.memory_space<hbm>>) dst(%arg15 : memref<80x128xf32, #tpu.memory_space<vmem>>)
    "tpu.region"() ({
      %run_scoped3A = tpu.sem_alloc : memref<!tpu.dma_semaphore, #tpu.memory_space<semaphore_mem>>
      %dma_start3A_851 = arith.constant 0 : i32
      %dma_start3A_852 = arith.constant 0 : i32
      %dma_start3A_853 = tpu.memref_slice %arg18[%dma_start3A_851, %dma_start3A_852] : memref<10008x128xf32, #tpu.memory_space<vmem_shared>> -> memref<10008x128xf32, #tpu.memory_space<vmem_shared>>
      tpu.enqueue_indirect_dma source(%arg15 : memref<80x128xf32, #tpu.memory_space<vmem>>) target(%dma_start3A_853 : memref<10008x128xf32, #tpu.memory_space<vmem_shared>>) offsets(%arg11 : memref<80xi32, #tpu.memory_space<vmem>>) semaphore(%run_scoped3A : memref<!tpu.dma_semaphore, #tpu.memory_space<semaphore_mem>>) {add = true}
      %dma_wait3A_854 = arith.constant 0 : i32
      %dma_wait3A_855 = arith.constant 0 : i32
      %dma_wait3A_856 = tpu.memref_slice %arg18[%dma_wait3A_854, %dma_wait3A_855] : memref<10008x128xf32, #tpu.memory_space<vmem_shared>> -> memref<10008x128xf32, #tpu.memory_space<vmem_shared>>
      tpu.wait_indirect_dma semaphore(%run_scoped3A : memref<!tpu.dma_semaphore, #tpu.memory_space<semaphore_mem>>) src(%arg15 : memref<80x128xf32, #tpu.memory_space<vmem>>) dst(%dma_wait3A_856 : memref<10008x128xf32, #tpu.memory_space<vmem_shared>>)
      tpu.yield
    }) : () -> ()
    %get3A = arith.constant 0 : index
    %get3A_836 = tpu.vector_load %arg11[%get3A] {strides = array<i32>} : memref<80xi32, #tpu.memory_space<vmem>>, vector<16xi32>,
    tpu.vector_store_idx %arg17[%get3A_836], %broadcast_in_dim3A_816 {add = true} : memref<10016xf32, #tpu.memory_space<vmem>>[vector<16xi32>], vector<16xf32>,
    %get3A_837 = arith.constant 16 : index
    %get3A_838 = tpu.vector_load %arg11[%get3A_837] {strides = array<i32>} : memref<80xi32, #tpu.memory_space<vmem>>, vector<16xi32>,
    tpu.vector_store_idx %arg17[%get3A_838], %broadcast_in_dim3A_816 {add = true} : memref<10016xf32, #tpu.memory_space<vmem>>[vector<16xi32>], vector<16xf32>,
    %get3A_839 = arith.constant 32 : index
    %get3A_840 = tpu.vector_load %arg11[%get3A_839] {strides = array<i32>} : memref<80xi32, #tpu.memory_space<vmem>>, vector<16xi32>,
    tpu.vector_store_idx %arg17[%get3A_840], %broadcast_in_dim3A_816 {add = true} : memref<10016xf32, #tpu.memory_space<vmem>>[vector<16xi32>], vector<16xf32>,
    %get3A_841 = arith.constant 48 : index
    %get3A_842 = tpu.vector_load %arg11[%get3A_841] {strides = array<i32>} : memref<80xi32, #tpu.memory_space<vmem>>, vector<16xi32>,
    tpu.vector_store_idx %arg17[%get3A_842], %broadcast_in_dim3A_816 {add = true} : memref<10016xf32, #tpu.memory_space<vmem>>[vector<16xi32>], vector<16xf32>,
    %get3A_843 = arith.constant 64 : index
    %get3A_844 = tpu.vector_load %arg11[%get3A_843] {strides = array<i32>} : memref<80xi32, #tpu.memory_space<vmem>>, vector<16xi32>,
    tpu.vector_store_idx %arg17[%get3A_844], %broadcast_in_dim3A_816 {add = true} : memref<10016xf32, #tpu.memory_space<vmem>>[vector<16xi32>], vector<16xf32>,
    %barrier3A_845 = arith.constant 0 : index
    tpu.barrier barrier_id(%barrier3A_845)
    "tpu.region"() ({
      %run_scoped3A = tpu.sem_alloc : memref<!tpu.dma_semaphore, #tpu.memory_space<semaphore_mem>>
      %dma_start3A_851 = arith.constant 0 : i32
      %dma_start3A_852 = tpu.memref_slice %arg6[%arg0, %arg1, %dma_start3A_851] : memref<2x16x10016xf32, #tpu.memory_space<hbm>> -> memref<1x1x10016xf32, #tpu.memory_space<hbm>>
      %dma_start3A_853 = tpu.memref_squeeze %dma_start3A_852 : memref<1x1x10016xf32, #tpu.memory_space<hbm>> -> memref<10016xf32, #tpu.memory_space<hbm>>
      %dma_start3A_854 = arith.constant 0 : i32
      %dma_start3A_855 = tpu.memref_slice %arg6[%arg0, %arg1, %dma_start3A_854] : memref<2x16x10016xf32, #tpu.memory_space<hbm>> -> memref<1x1x10016xf32, #tpu.memory_space<hbm>>
      %dma_start3A_856 = tpu.memref_squeeze %dma_start3A_855 : memref<1x1x10016xf32, #tpu.memory_space<hbm>> -> memref<10016xf32, #tpu.memory_space<hbm>>
      tpu.enqueue_dma source(%arg17 : memref<10016xf32, #tpu.memory_space<vmem>>) target(%dma_start3A_856 : memref<10016xf32, #tpu.memory_space<hbm>>) target_semaphore(%run_scoped3A : memref<!tpu.dma_semaphore, #tpu.memory_space<semaphore_mem>>)
      %dma_wait3A_857 = arith.constant 0 : i32
      %dma_wait3A_858 = tpu.memref_slice %arg6[%arg0, %arg1, %dma_wait3A_857] : memref<2x16x10016xf32, #tpu.memory_space<hbm>> -> memref<1x1x10016xf32, #tpu.memory_space<hbm>>
      %dma_wait3A_859 = tpu.memref_squeeze %dma_wait3A_858 : memref<1x1x10016xf32, #tpu.memory_space<hbm>> -> memref<10016xf32, #tpu.memory_space<hbm>>
      %dma_wait3A_860 = arith.constant 0 : i32
      %dma_wait3A_861 = tpu.memref_slice %arg6[%arg0, %arg1, %dma_wait3A_860] : memref<2x16x10016xf32, #tpu.memory_space<hbm>> -> memref<1x1x10016xf32, #tpu.memory_space<hbm>>
      %dma_wait3A_862 = tpu.memref_squeeze %dma_wait3A_861 : memref<1x1x10016xf32, #tpu.memory_space<hbm>> -> memref<10016xf32, #tpu.memory_space<hbm>>
      tpu.wait_dma2 semaphore(%run_scoped3A : memref<!tpu.dma_semaphore, #tpu.memory_space<semaphore_mem>>) src(%arg17 : memref<10016xf32, #tpu.memory_space<vmem>>) dst(%dma_wait3A_862 : memref<10016xf32, #tpu.memory_space<hbm>>)
      tpu.yield
    }) : () -> ()
    %eq3A_846 = arith.constant 0 : i32
    %eq3A_847 = arith.cmpi eq, %arg1, %eq3A_846 : i32
    %convert_element_type3A_848 = arith.extui %eq3A_847 : i1 to i32
    %cond3A_849 = arith.constant 0 : i32
    %cond3A_850 = arith.cmpi ne, %convert_element_type3A_848, %cond3A_849 : i32
    scf.if %cond3A_850 {
      "tpu.region"() ({
        %run_scoped3A = tpu.sem_alloc : memref<!tpu.dma_semaphore, #tpu.memory_space<semaphore_mem>>
        %dma_start3A_851 = arith.constant 0 : i32
        %dma_start3A_852 = arith.constant 0 : i32
        %dma_start3A_853 = tpu.memref_slice %arg5[%arg0, %dma_start3A_851, %dma_start3A_852] : memref<2x10008x128xf32, #tpu.memory_space<hbm>> -> memref<1x10008x128xf32, #tpu.memory_space<hbm>>
        %dma_start3A_854 = tpu.memref_squeeze %dma_start3A_853 : memref<1x10008x128xf32, #tpu.memory_space<hbm>> -> memref<10008x128xf32, #tpu.memory_space<hbm>>
        tpu.enqueue_dma source(%arg18 : memref<10008x128xf32, #tpu.memory_space<vmem_shared>>) target(%dma_start3A_854 : memref<10008x128xf32, #tpu.memory_space<hbm>>) target_semaphore(%run_scoped3A : memref<!tpu.dma_semaphore, #tpu.memory_space<semaphore_mem>>)
        %dma_wait3A_855 = arith.constant 0 : i32
        %dma_wait3A_856 = arith.constant 0 : i32
        %dma_wait3A_857 = tpu.memref_slice %arg5[%arg0, %dma_wait3A_855, %dma_wait3A_856] : memref<2x10008x128xf32, #tpu.memory_space<hbm>> -> memref<1x10008x128xf32, #tpu.memory_space<hbm>>
        %dma_wait3A_858 = tpu.memref_squeeze %dma_wait3A_857 : memref<1x10008x128xf32, #tpu.memory_space<hbm>> -> memref<10008x128xf32, #tpu.memory_space<hbm>>
        tpu.wait_dma2 semaphore(%run_scoped3A : memref<!tpu.dma_semaphore, #tpu.memory_space<semaphore_mem>>) src(%arg18 : memref<10008x128xf32, #tpu.memory_space<vmem_shared>>) dst(%dma_wait3A_858 : memref<10008x128xf32, #tpu.memory_space<hbm>>)
        tpu.yield
      }) : () -> ()
    } else {
    }
    return
  }
}

module attributes {stable_mosaic.version = 14 : i64} {
  func.func @_tc_body(%arg0: i32, %arg1: memref<1000x128xf32, #tpu.memory_space<vmem>>, %arg2: memref<1000x128xf32, #tpu.memory_space<vmem>>, %arg3: memref<1000x128xf32, #tpu.memory_space<vmem>>, %arg4: memref<1000x128xf32, #tpu.memory_space<vmem>>, %arg5: memref<1000x128xf32, #tpu.memory_space<vmem>>, %arg6: memref<1000x1xf32, #tpu.memory_space<vmem>>, %arg7: memref<128x512xf32, #tpu.memory_space<vmem>>, %arg8: memref<128x512xf32, #tpu.memory_space<vmem>>, %arg9: memref<128x512xf32, #tpu.memory_space<vmem>>, %arg10: memref<512xf32, #tpu.memory_space<vmem>>, %arg11: memref<128x128xf32, #tpu.memory_space<vmem>>, %arg12: memref<128xf32, #tpu.memory_space<vmem>>, %arg13: memref<1000x128xf32, #tpu.memory_space<vmem>>, %arg14: memref<1000x128xf32, #tpu.memory_space<vmem>>, %arg15: memref<1000x3xf32, #tpu.memory_space<vmem>>) attributes {dimension_semantics = [#tpu.dimension_semantics<arbitrary>], iteration_bounds = array<i64: 10>, scalar_prefetch = 0 : i64, scratch_operands = 0 : i64, tpu.core_type = #tpu.core_type<tc>, window_params = [{transform_indices = @transform_0, window_bounds = array<i64: 1000, 128>}, {transform_indices = @transform_1, window_bounds = array<i64: 1000, 128>}, {transform_indices = @transform_2, window_bounds = array<i64: 1000, 128>}, {transform_indices = @transform_3, window_bounds = array<i64: 1000, 128>}, {transform_indices = @transform_4, window_bounds = array<i64: 1000, 128>}, {transform_indices = @transform_5, window_bounds = array<i64: 1000, 1>}, {pipeline_mode = #tpu.pipeline_mode<synchronous>, transform_indices = @transform_6, window_bounds = array<i64: 128, 512>}, {pipeline_mode = #tpu.pipeline_mode<synchronous>, transform_indices = @transform_7, window_bounds = array<i64: 128, 512>}, {pipeline_mode = #tpu.pipeline_mode<synchronous>, transform_indices = @transform_8, window_bounds = array<i64: 128, 512>}, {pipeline_mode = #tpu.pipeline_mode<synchronous>, transform_indices = @transform_9, window_bounds = array<i64: 512>}, {pipeline_mode = #tpu.pipeline_mode<synchronous>, transform_indices = @transform_10, window_bounds = array<i64: 128, 128>}, {pipeline_mode = #tpu.pipeline_mode<synchronous>, transform_indices = @transform_11, window_bounds = array<i64: 128>}, {transform_indices = @transform_12, window_bounds = array<i64: 1000, 128>}, {transform_indices = @transform_13, window_bounds = array<i64: 1000, 128>}, {transform_indices = @transform_14, window_bounds = array<i64: 1000, 3>}]} {
    %get3A = arith.constant 0 : index
    %get3A_0 = arith.constant 0 : index
    %get3A_1 = vector.load %arg6[%get3A, %get3A_0] : memref<1000x1xf32, #tpu.memory_space<vmem>>, vector<1000x1xf32>
    %max3A = arith.constant 1.000000e+00 : f32
    %max3A_2 = vector.broadcast %max3A : f32 to vector<1000x1xf32>
    %max3A_3 = arith.maximumf %get3A_1, %max3A_2 : vector<1000x1xf32>
    %get3A_4 = arith.constant 0 : index
    %get3A_5 = arith.constant 0 : index
    %get3A_6 = vector.load %arg4[%get3A_4, %get3A_5] : memref<1000x128xf32, #tpu.memory_space<vmem>>, vector<1000x128xf32>
    %get3A_7 = arith.constant 0 : index
    %get3A_8 = arith.constant 0 : index
    %get3A_9 = vector.load %arg5[%get3A_7, %get3A_8] : memref<1000x128xf32, #tpu.memory_space<vmem>>, vector<1000x128xf32>
    %add3A = arith.addf %get3A_6, %get3A_9 : vector<1000x128xf32>
    %div3A = vector.broadcast %max3A_3 : vector<1000x1xf32> to vector<1000x128xf32>
    %div3A_10 = arith.divf %add3A, %div3A : vector<1000x128xf32>
    %get3A_11 = arith.constant 0 : index
    %get3A_12 = arith.constant 0 : index
    %get3A_13 = vector.load %arg1[%get3A_11, %get3A_12] : memref<1000x128xf32, #tpu.memory_space<vmem>>, vector<1000x128xf32>
    %get3A_14 = arith.constant 0 : index
    %get3A_15 = arith.constant 0 : index
    %get3A_16 = vector.load %arg2[%get3A_14, %get3A_15] : memref<1000x128xf32, #tpu.memory_space<vmem>>, vector<1000x128xf32>
    %get3A_17 = arith.constant 0 : index
    %get3A_18 = arith.constant 0 : index
    %get3A_19 = vector.load %arg7[%get3A_17, %get3A_18] : memref<128x512xf32, #tpu.memory_space<vmem>>, vector<128x512xf32>
    %dot_general3A = arith.constant dense<0.000000e+00> : vector<1000x512xf32>
    %dot_general3A_20 = tpu.matmul %get3A_13, %get3A_19, %dot_general3A {dimension_numbers = #tpu.dot_dimension_numbers<[1], [0], [0], [1], [0, 0, 1, 1], [], []>, transpose_lhs_hint = false} : vector<1000x128xf32>, vector<128x512xf32>, vector<1000x512xf32> -> vector<1000x512xf32>
    %get3A_21 = arith.constant 0 : index
    %get3A_22 = arith.constant 0 : index
    %get3A_23 = vector.load %arg8[%get3A_21, %get3A_22] : memref<128x512xf32, #tpu.memory_space<vmem>>, vector<128x512xf32>
    %dot_general3A_24 = arith.constant dense<0.000000e+00> : vector<1000x512xf32>
    %dot_general3A_25 = tpu.matmul %div3A_10, %get3A_23, %dot_general3A_24 {dimension_numbers = #tpu.dot_dimension_numbers<[1], [0], [0], [1], [0, 0, 1, 1], [], []>, transpose_lhs_hint = false} : vector<1000x128xf32>, vector<128x512xf32>, vector<1000x512xf32> -> vector<1000x512xf32>
    %add3A_26 = arith.addf %dot_general3A_20, %dot_general3A_25 : vector<1000x512xf32>
    %get3A_27 = arith.constant 0 : index
    %get3A_28 = arith.constant 0 : index
    %get3A_29 = vector.load %arg9[%get3A_27, %get3A_28] : memref<128x512xf32, #tpu.memory_space<vmem>>, vector<128x512xf32>
    %dot_general3A_30 = arith.constant dense<0.000000e+00> : vector<1000x512xf32>
    %dot_general3A_31 = tpu.matmul %get3A_16, %get3A_29, %dot_general3A_30 {dimension_numbers = #tpu.dot_dimension_numbers<[1], [0], [0], [1], [0, 0, 1, 1], [], []>, transpose_lhs_hint = false} : vector<1000x128xf32>, vector<128x512xf32>, vector<1000x512xf32> -> vector<1000x512xf32>
    %add3A_32 = arith.addf %add3A_26, %dot_general3A_31 : vector<1000x512xf32>
    %get3A_33 = arith.constant 0 : index
    %get3A_34 = vector.load %arg10[%get3A_33] : memref<512xf32, #tpu.memory_space<vmem>>, vector<512xf32>
    %broadcast_in_dim3A = vector.shape_cast %get3A_34 : vector<512xf32> to vector<1x512xf32>
    %add3A_35 = vector.broadcast %broadcast_in_dim3A : vector<1x512xf32> to vector<1000x512xf32>
    %add3A_36 = arith.addf %add3A_32, %add3A_35 : vector<1000x512xf32>
    %slice3A = vector.extract_strided_slice %add3A_36 {offsets = [0, 0], sizes = [1000, 128], strides = [1, 1]} : vector<1000x512xf32> to vector<1000x128xf32>
    %neg3A = arith.constant 0.000000e+00 : f32
    %neg3A_37 = vector.broadcast %neg3A : f32 to vector<1000x128xf32>
    %neg3A_38 = arith.subf %neg3A_37, %slice3A : vector<1000x128xf32>
    %exp3A = math.exp %neg3A_38 : vector<1000x128xf32>
    %add3A_39 = arith.constant 1.000000e+00 : f32
    %add3A_40 = vector.broadcast %add3A_39 : f32 to vector<1000x128xf32>
    %add3A_41 = arith.addf %add3A_40, %exp3A : vector<1000x128xf32>
    %div3A_42 = arith.constant 1.000000e+00 : f32
    %div3A_43 = vector.broadcast %div3A_42 : f32 to vector<1000x128xf32>
    %div3A_44 = arith.divf %div3A_43, %add3A_41 : vector<1000x128xf32>
    %slice3A_45 = vector.extract_strided_slice %add3A_36 {offsets = [0, 128], sizes = [1000, 128], strides = [1, 1]} : vector<1000x512xf32> to vector<1000x128xf32>
    %neg3A_46 = arith.constant 0.000000e+00 : f32
    %neg3A_47 = vector.broadcast %neg3A_46 : f32 to vector<1000x128xf32>
    %neg3A_48 = arith.subf %neg3A_47, %slice3A_45 : vector<1000x128xf32>
    %exp3A_49 = math.exp %neg3A_48 : vector<1000x128xf32>
    %add3A_50 = arith.constant 1.000000e+00 : f32
    %add3A_51 = vector.broadcast %add3A_50 : f32 to vector<1000x128xf32>
    %add3A_52 = arith.addf %add3A_51, %exp3A_49 : vector<1000x128xf32>
    %div3A_53 = arith.constant 1.000000e+00 : f32
    %div3A_54 = vector.broadcast %div3A_53 : f32 to vector<1000x128xf32>
    %div3A_55 = arith.divf %div3A_54, %add3A_52 : vector<1000x128xf32>
    %slice3A_56 = vector.extract_strided_slice %add3A_36 {offsets = [0, 256], sizes = [1000, 128], strides = [1, 1]} : vector<1000x512xf32> to vector<1000x128xf32>
    %tanh3A = math.tanh %slice3A_56 : vector<1000x128xf32>
    %slice3A_57 = vector.extract_strided_slice %add3A_36 {offsets = [0, 384], sizes = [1000, 128], strides = [1, 1]} : vector<1000x512xf32> to vector<1000x128xf32>
    %neg3A_58 = arith.constant 0.000000e+00 : f32
    %neg3A_59 = vector.broadcast %neg3A_58 : f32 to vector<1000x128xf32>
    %neg3A_60 = arith.subf %neg3A_59, %slice3A_57 : vector<1000x128xf32>
    %exp3A_61 = math.exp %neg3A_60 : vector<1000x128xf32>
    %add3A_62 = arith.constant 1.000000e+00 : f32
    %add3A_63 = vector.broadcast %add3A_62 : f32 to vector<1000x128xf32>
    %add3A_64 = arith.addf %add3A_63, %exp3A_61 : vector<1000x128xf32>
    %div3A_65 = arith.constant 1.000000e+00 : f32
    %div3A_66 = vector.broadcast %div3A_65 : f32 to vector<1000x128xf32>
    %div3A_67 = arith.divf %div3A_66, %add3A_64 : vector<1000x128xf32>
    %get3A_68 = arith.constant 0 : index
    %get3A_69 = arith.constant 0 : index
    %get3A_70 = vector.load %arg3[%get3A_68, %get3A_69] : memref<1000x128xf32, #tpu.memory_space<vmem>>, vector<1000x128xf32>
    %mul3A = arith.mulf %div3A_55, %get3A_70 : vector<1000x128xf32>
    %mul3A_71 = arith.mulf %div3A_44, %tanh3A : vector<1000x128xf32>
    %add3A_72 = arith.addf %mul3A, %mul3A_71 : vector<1000x128xf32>
    %tanh3A_73 = math.tanh %add3A_72 : vector<1000x128xf32>
    %mul3A_74 = arith.mulf %div3A_67, %tanh3A_73 : vector<1000x128xf32>
    %swap3A = arith.constant 0 : index
    %swap3A_75 = arith.constant 0 : index
    %swap3A_76 = vector.load %arg14[%swap3A, %swap3A_75] : memref<1000x128xf32, #tpu.memory_space<vmem>>, vector<1000x128xf32>
    tpu.vector_store %arg14[%swap3A, %swap3A_75], %add3A_72 {strides = array<i32>} : memref<1000x128xf32, #tpu.memory_space<vmem>>, vector<1000x128xf32>,
    %swap3A_77 = arith.constant 0 : index
    %swap3A_78 = arith.constant 0 : index
    %swap3A_79 = vector.load %arg13[%swap3A_77, %swap3A_78] : memref<1000x128xf32, #tpu.memory_space<vmem>>, vector<1000x128xf32>
    tpu.vector_store %arg13[%swap3A_77, %swap3A_78], %mul3A_74 {strides = array<i32>} : memref<1000x128xf32, #tpu.memory_space<vmem>>, vector<1000x128xf32>,
    %get3A_80 = arith.constant 0 : index
    %get3A_81 = arith.constant 0 : index
    %get3A_82 = vector.load %arg11[%get3A_80, %get3A_81] : memref<128x128xf32, #tpu.memory_space<vmem>>, vector<128x128xf32>
    %dot_general3A_83 = arith.constant dense<0.000000e+00> : vector<1000x128xf32>
    %dot_general3A_84 = tpu.matmul %mul3A_74, %get3A_82, %dot_general3A_83 {dimension_numbers = #tpu.dot_dimension_numbers<[1], [0], [0], [1], [0, 0, 1, 1], [], []>, transpose_lhs_hint = false} : vector<1000x128xf32>, vector<128x128xf32>, vector<1000x128xf32> -> vector<1000x128xf32>
    %get3A_85 = arith.constant 0 : index
    %get3A_86 = vector.load %arg12[%get3A_85] : memref<128xf32, #tpu.memory_space<vmem>>, vector<128xf32>
    %broadcast_in_dim3A_87 = vector.shape_cast %get3A_86 : vector<128xf32> to vector<1x128xf32>
    %add3A_88 = vector.broadcast %broadcast_in_dim3A_87 : vector<1x128xf32> to vector<1000x128xf32>
    %add3A_89 = arith.addf %dot_general3A_84, %add3A_88 : vector<1000x128xf32>
    %reduce_max3A = arith.constant dense<0xFF800000> : vector<1000xf32>
    %reduce_max3A_90 = vector.multi_reduction <maximumf>, %add3A_89, %reduce_max3A [1] : vector<1000x128xf32> to vector<1000xf32>
    %broadcast_in_dim3A_91 = vector.shape_cast %reduce_max3A_90 : vector<1000xf32> to vector<1000x1xf32>
    %sub3A = vector.broadcast %broadcast_in_dim3A_91 : vector<1000x1xf32> to vector<1000x128xf32>
    %sub3A_92 = arith.subf %add3A_89, %sub3A : vector<1000x128xf32>
    %exp3A_93 = math.exp %sub3A_92 : vector<1000x128xf32>
    %reduce_sum3A = arith.constant dense<0.000000e+00> : vector<1000xf32>
    %reduce_sum3A_94 = vector.multi_reduction <add>, %exp3A_93, %reduce_sum3A [1] : vector<1000x128xf32> to vector<1000xf32>
    %broadcast_in_dim3A_95 = vector.shape_cast %reduce_sum3A_94 : vector<1000xf32> to vector<1000x1xf32>
    %div3A_96 = vector.broadcast %broadcast_in_dim3A_95 : vector<1000x1xf32> to vector<1000x128xf32>
    %div3A_97 = arith.divf %exp3A_93, %div3A_96 : vector<1000x128xf32>
    %slice3A_98 = vector.extract_strided_slice %div3A_97 {offsets = [0, 0], sizes = [1000, 3], strides = [1, 1]} : vector<1000x128xf32> to vector<1000x3xf32>
    %swap3A_99 = arith.constant 0 : index
    %swap3A_100 = arith.constant 0 : index
    %swap3A_101 = vector.load %arg15[%swap3A_99, %swap3A_100] : memref<1000x3xf32, #tpu.memory_space<vmem>>, vector<1000x3xf32>
    tpu.vector_store %arg15[%swap3A_99, %swap3A_100], %slice3A_98 {strides = array<i32>} : memref<1000x3xf32, #tpu.memory_space<vmem>>, vector<1000x3xf32>,
    return
  }
  func.func @transform_0(%arg0: i32) -> (i32, i32) {
    %c0_i32 = arith.constant 0 : i32
    %c0_i32_0 = arith.constant 0 : i32
    return %arg0, %c0_i32 : i32, i32
  }
  func.func @transform_1(%arg0: i32) -> (i32, i32) {
    %c0_i32 = arith.constant 0 : i32
    %c0_i32_0 = arith.constant 0 : i32
    return %arg0, %c0_i32 : i32, i32
  }
  func.func @transform_2(%arg0: i32) -> (i32, i32) {
    %c0_i32 = arith.constant 0 : i32
    %c0_i32_0 = arith.constant 0 : i32
    return %arg0, %c0_i32 : i32, i32
  }
  func.func @transform_3(%arg0: i32) -> (i32, i32) {
    %c0_i32 = arith.constant 0 : i32
    %c0_i32_0 = arith.constant 0 : i32
    return %arg0, %c0_i32 : i32, i32
  }
  func.func @transform_4(%arg0: i32) -> (i32, i32) {
    %c0_i32 = arith.constant 0 : i32
    %c0_i32_0 = arith.constant 0 : i32
    return %arg0, %c0_i32 : i32, i32
  }
  func.func @transform_5(%arg0: i32) -> (i32, i32) {
    %c0_i32 = arith.constant 0 : i32
    %c0_i32_0 = arith.constant 0 : i32
    return %arg0, %c0_i32 : i32, i32
  }
  func.func @transform_6(%arg0: i32) -> (i32, i32) {
    %c0_i32 = arith.constant 0 : i32
    %c0_i32_0 = arith.constant 0 : i32
    %c0_i32_1 = arith.constant 0 : i32
    return %c0_i32, %c0_i32_0 : i32, i32
  }
  func.func @transform_7(%arg0: i32) -> (i32, i32) {
    %c0_i32 = arith.constant 0 : i32
    %c0_i32_0 = arith.constant 0 : i32
    %c0_i32_1 = arith.constant 0 : i32
    return %c0_i32, %c0_i32_0 : i32, i32
  }
  func.func @transform_8(%arg0: i32) -> (i32, i32) {
    %c0_i32 = arith.constant 0 : i32
    %c0_i32_0 = arith.constant 0 : i32
    %c0_i32_1 = arith.constant 0 : i32
    return %c0_i32, %c0_i32_0 : i32, i32
  }
  func.func @transform_9(%arg0: i32) -> i32 {
    %c0_i32 = arith.constant 0 : i32
    %c0_i32_0 = arith.constant 0 : i32
    return %c0_i32 : i32
  }
  func.func @transform_10(%arg0: i32) -> (i32, i32) {
    %c0_i32 = arith.constant 0 : i32
    %c0_i32_0 = arith.constant 0 : i32
    %c0_i32_1 = arith.constant 0 : i32
    return %c0_i32, %c0_i32_0 : i32, i32
  }
  func.func @transform_11(%arg0: i32) -> i32 {
    %c0_i32 = arith.constant 0 : i32
    %c0_i32_0 = arith.constant 0 : i32
    return %c0_i32 : i32
  }
  func.func @transform_12(%arg0: i32) -> (i32, i32) {
    %c0_i32 = arith.constant 0 : i32
    %c0_i32_0 = arith.constant 0 : i32
    return %arg0, %c0_i32 : i32, i32
  }
  func.func @transform_13(%arg0: i32) -> (i32, i32) {
    %c0_i32 = arith.constant 0 : i32
    %c0_i32_0 = arith.constant 0 : i32
    return %arg0, %c0_i32 : i32, i32
  }
  func.func @transform_14(%arg0: i32) -> (i32, i32) {
    %c0_i32 = arith.constant 0 : i32
    %c0_i32_0 = arith.constant 0 : i32
    return %arg0, %c0_i32 : i32, i32
  }
}

</mosaic_0001>

<sc_bundles>
// kernel: kernel.4.cloned.1.call-start
scs
__scs_entry_jumppad:
0x0: {  	(pc) =	sbr.rel $0x88, $3  }
0x1: {  	(tag) =	ssettag $0x0;
	lr =	simm.s32 $0x1  }
0x2: {  	[smem:$0x3F98] =	sst lr;
	_ =	strace $0xD0000000  }
0x3: {  	_ = 	snop  }
0x4: {  	_ = 	snop  }
0x5: {  	_ = 	snop  }
0x6: {  	_ = 	snop  }
0x7: {  	_ = 	snop  }
__scs_overlays_trampoline_lowered:
0x8: {  	[smem:$0x3FA7] =	sst s0  }
0x9: {  	[smem:$0x3FA8] =	sst s1  }
0xa: {  	[smem:$0x3FA9] =	sst s2  }
0xb: {  	[smem:$0x3FAA] =	sst s3  }
0xc: {  	[smem:$0x3FAB] =	sst s4  }
0xd: {  	[smem:$0x3FAC] =	sst s5  }
0xe: {  	[smem:$0x3FAD] =	sst s6  }
0xf: {  	[smem:$0x3FAE] =	sst s7  }
0x10: {  	[smem:$0x3FAF] =	sst s8  }
0x11: {  	[smem:$0x3FB0] =	sst s9;
	s0 =	simm.s32 @!p0 $0x0  }
0x12: {  	s1 =	sld [smem:$0x3F96];
	s0 =	simm.s32 @p0 $0x1  }
0x13: {  	[smem:$0x3FB1] =	sst s0;
	s0 =	simm.s32 @!p1 $0x0  }
0x14: {  	s2 =	sld [smem:$0x3F95];
	s0 =	simm.s32 @p1 $0x1  }
0x15: {  	[smem:$0x3FB2] =	sst s0;
	s0 =	simm.s32 @!p2 $0x0  }
0x16: {  	s3 =	sld [smem:$0x3FDB];
	s0 =	simm.s32 @p2 $0x1  }
0x17: {  	s4 =	simm.s32 $0x1BF5;
	[smem:$0x3FB4] =	sst s0  }
0x18: {  	s0 =	sld [smem:$0x3F97];
	_ =	swait.ge [sflag:s4], $0x0  }
0x19: {  	s7 =	sld [smem:$0x3F98]  }
0x1a: {  	s8 =	sadd.s32 $0xFFFFE003, lr  }
0x1b: {  	s9 =	sadd.s32 $0xFFFFFEF7, lr;
	s5 =	simm.s32 $0xFFFFFFFF;
	p2 =	slt.u32 s8, $0xFFFFF086  }
0x1c: {  	p1 =	slt.u32 s9, $0xF7A;
	s5 =	simm.s32 @!p2 $0x0  }
0x1d: {  	s5 =	simm.s32 @p1 $0x1;
	p0 =	seq.s32 s7, s2  }
0x1e: {  	s7 =	smul.u32 @!p0 $0xF7A, s2;
	p2 =	seq.s32 @!p0 s5, $0x0  }
0x1f: {  	s9 =	smul.u32 $0xF7A, s1;
	s8 =	simm.s32 @!p0 $0x1BF5;
	p2 =	por !p2, p0  }
0x20: {  	[sflag:s8] =	ssyncset.s32 @!p0 $0xFFFFF086;
	s6 =	sadd.s32 @!p0 s3, s7;
	s7 =	simm.s32 @!p0 $0x108  }
0x21: {  	s3 =	sadd.s32 s3, s9;
	s6 =	sadd.s32 @!p0 $0x88, s6;
	s7 =	simm.s32 @p2 $0x1082  }
0x22: {  	[simem:s7], [sflag:s8] =	dma.local @!p0 [hbm:s6], $0xF7A  }
0x23: {  	s9 =	sor.u32 $0xD0000000, s2;
	s6 =	simm.s32 $0x108;
	_ =	swait.ge @!p0 [sflag:s8], $0x0  }
0x24: {  	s3 =	sadd.s32 $0x88, s3;
	s6 =	simm.s32 @!p1 $0x1082;
	[sflag:s4] =	ssyncset.s32 $0xFFFFF086  }
0x25: {  	[simem:s6], [sflag:s4] =	dma.local [hbm:s3], $0xF7A  }
0x26: {  	[smem:$0x3F98] =	sst s1;
	(tag) =	ssettag s2;
	_ =	strace s9  }
0x27: {  	s1 =	sld [smem:$0x3FA8]  }
0x28: {  	s2 =	sld [smem:$0x3FA9]  }
0x29: {  	s4 =	sld [smem:$0x3FAB]  }
0x2a: {  	p0 =	seq.s32 s5, $0x0;
	s5 =	sld [smem:$0x3FAC]  }
0x2b: {  	s6 =	sld [smem:$0x3FAD]  }
0x2c: {  	s7 =	sld [smem:$0x3FAE]  }
0x2d: {  	s3 =	simm.s32 $0x108;
	s8 =	sld [smem:$0x3FAF]  }
0x2e: {  	s3 =	simm.s32 @!p0 $0x1082;
	s9 =	sld [smem:$0x3FB0]  }
0x2f: {  	lr =	sadd.s32 s0, s3;
	s0 =	sld [smem:$0x3FA7]  }
0x30: {  	s3 =	sld [smem:$0x3FAA]  }
0x31: {  	[smem:$0x3FB3] =	sst s10  }
0x32: {  	s10 =	sld [smem:$0x3FB1];
	_ =	sdelay $0x3  }
0x33: {  	p0 =	seq.s32 s10, $0x1;
	s10 =	sld [smem:$0x3FB3];
	_ =	sdelay $0x3  }
0x34: {  	[smem:$0x3FB3] =	sst s10  }
0x35: {  	s10 =	sld [smem:$0x3FB2];
	_ =	sdelay $0x3  }
0x36: {  	p1 =	seq.s32 s10, $0x1;
	s10 =	sld [smem:$0x3FB3];
	_ =	sdelay $0x3  }
0x37: {  	[smem:$0x3FB3] =	sst s10  }
0x38: {  	s10 =	sld [smem:$0x3FB4]  }
0x39: {  	_ = 	snop;
	(pc) =	sbr.ind lr, $3  }
0x3a: {  	_ = 	snop  }
0x3b: {  	_ = 	snop  }
0x3c: {  	p2 =	seq.s32 s10, $0x1;
	s10 =	sld [smem:$0x3FB3]  }
0x3d: {  	_ =	shalt  }
0x3e: {  	_ =	shalt  }
0x3f: {  	_ =	shalt  }
0x40: {  	_ =	shalt  }
0x41: {  	_ =	shalt  }
0x42: {  	_ =	shalt  }
0x43: {  	_ =	shalt  }
0x44: {  	_ =	shalt  }
0x45: {  	_ =	shalt  }
0x46: {  	_ =	shalt  }
0x47: {  	_ =	shalt  }
0x48: {  	_ =	shalt  }
0x49: {  	_ =	shalt  }
0x4a: {  	_ =	shalt  }
0x4b: {  	_ =	shalt  }
0x4c: {  	_ =	shalt  }
0x4d: {  	_ =	shalt  }
0x4e: {  	_ =	shalt  }
0x4f: {  	_ =	shalt  }
0x50: {  	_ =	shalt  }
0x51: {  	_ =	shalt  }
0x52: {  	_ =	shalt  }
0x53: {  	_ =	shalt  }
0x54: {  	_ =	shalt  }
0x55: {  	_ =	shalt  }
0x56: {  	_ =	shalt  }
0x57: {  	_ =	shalt  }
0x58: {  	_ =	shalt  }
0x59: {  	_ =	shalt  }
0x5a: {  	_ =	shalt  }
0x5b: {  	_ =	shalt  }
0x5c: {  	_ =	shalt  }
0x5d: {  	_ =	shalt  }
0x5e: {  	_ =	shalt  }
0x5f: {  	_ =	shalt  }
0x60: {  	_ =	shalt  }
0x61: {  	_ =	shalt  }
0x62: {  	_ =	shalt  }
0x63: {  	_ =	shalt  }
0x64: {  	_ =	shalt  }
0x65: {  	_ =	shalt  }
0x66: {  	_ =	shalt  }
0x67: {  	_ =	shalt  }
0x68: {  	_ =	shalt  }
0x69: {  	_ =	shalt  }
0x6a: {  	_ =	shalt  }
0x6b: {  	_ =	shalt  }
0x6c: {  	_ =	shalt  }
0x6d: {  	_ =	shalt  }
0x6e: {  	_ =	shalt  }
0x6f: {  	_ =	shalt  }
0x70: {  	_ =	shalt  }
0x71: {  	_ =	shalt  }
0x72: {  	_ =	shalt  }
0x73: {  	_ =	shalt  }
0x74: {  	_ =	shalt  }
0x75: {  	_ =	shalt  }
0x76: {  	_ =	shalt  }
0x77: {  	_ =	shalt  }
0x78: {  	_ =	shalt  }
0x79: {  	_ =	shalt  }
0x7a: {  	_ =	shalt  }
0x7b: {  	_ =	shalt  }
0x7c: {  	_ =	shalt  }
0x7d: {  	_ =	shalt  }
0x7e: {  	_ =	shalt  }
0x7f: {  	_ =	shalt  }
0x80: {  	_ =	shalt  }
0x81: {  	_ =	shalt  }
0x82: {  	_ =	shalt  }
0x83: {  	_ =	shalt  }
0x84: {  	_ =	shalt  }
0x85: {  	_ =	shalt  }
0x86: {  	_ =	shalt  }
0x87: {  	_ =	shalt  }
.Lfunc_end0:
.L_simem_size_0:
called_computation_lowered:
.L_overlay_start_0:
0x88: {  	s2 =	sld [smem:$0x3FD9]  }
0x89: {  	s3 =	sld [smem:$0x3FFE];
	_ =	sdelay $0x1  }
0x8a: {  	s1 =	srdreg.scid  }
0x8b: {  	s0 =	sand.u32 $0x1, s1  }
0x8c: {  	s14 =	sshll.u32 s0, $0xA;
	s2 =	sadd.s32 s3, s2  }
0x8d: {  	s2 =	sadd.s32 s2, s14  }
0x8e: {  	[smem:$0x3FBF] =	sst s2  }
0x8f: {  	_ = 	snop  }
0x90: {  	s2 =	sld [smem:$0x3FD0];
	_ =	sdelay $0x2  }
0x91: {  	s4 =	simm.s32 $0xA;
	s5 =	simm.s32 $0x10;
	s15 =	sld [smem:$0x3FC9]  }
0x92: {  	[smem:s5], [sflag:s4] =	dma.local [hbm:s2], $0x1  }
0x93: {  	_ =	swait.eq [sflag:s4], $0x1  }
0x94: {  	[sflag:s4] =	ssyncset.done $0x0  }
0x95: {  	s16 =	sld [smem:$0x10];
	[sflag:s4] =	ssyncadd.s32 $0xFFFFFFFF  }
0x96: {  	s17 =	sld [smem:$0x11];
	(tm) =	ssettm $0x1  }
0x97: {  	s18 =	sld [smem:$0x3FFB];
	_ =	sdelay $0x3  }
0x98: {  	_ =	strace s18  }
0x99: {  	s5 =	sld [smem:$0x3FFC];
	_ =	sdelay $0x3  }
0x9a: {  	_ =	strace s5  }
0x9b: {  	s5 =	sld [smem:$0x3FFD];
	_ =	sdelay $0x3  }
0x9c: {  	_ =	strace s5  }
0x9d: {  	_ =	strace $0x8FFFFFFF  }
0x9e: {  	s19 =	sld [smem:$0x3FDB];
	_ =	sdelay $0x1  }
0x9f: {  	s6 =	simm.s32 $_scs_section_size  }
0xa0: {  	s7 =	simm.s32 $_size__tile_overlayer_lowered;
	s8 =	simm.s32 $_tile_overlayer_lowered  }
0xa1: {  	s22 =	simm.s32 $0x1BFF;
	s21 =	sshll.u32 s8, $0x1;
	s5 =	sadd.s32 s6, s19  }
0xa2: {  	s9 =	simm.s32 $0x0;
	s20 =	sshll.u32 s7, $0x1;
	s7 =	sadd.s32 s21, s5  }
0xa3: {  	[timem:s9], [sflag:s22] =	dma.local [hbm:s7], s20  }
0xa4: {  	_ =	swait.ge [sflag:s22], s20  }
0xa5: {  	s6 =	ssub.s32 $0x0, s20;
	[sflag:s22] =	ssyncset.done $0x0  }
0xa6: {  	[sflag:s22] =	ssyncadd.s32 s6;
	_ =	sdelay $0x1  }
0xa7: {  	s23 =	simm.s32 $0x1B8B  }
0xa8: {  	_ =	swait.ge [sflag:s23], $0x1  }
0xa9: {  	[sflag:s23] =	ssyncset.done $0x0  }
0xaa: {  	s25 =	simm.s32 $0x1B8E;
	s24 =	sld [smem:$0x3FFE];
	[sflag:s23] =	ssyncadd.s32 $0xFFFFFFFF  }
0xab: {  	s26 =	simm.s32 $execute0_lowered;
	[smem:$0x3FD2] =	sst s25  }
0xac: {  	s7 =	sshll.u32 s26, $0x1;
	_ =	strace $0x80000046;
	[dreg:$0x1] =	wrdreg $0xFFFFFFFF  }
0xad: {  	s28 =	simm.s32 $_size_execute0_lowered;
	s5 =	sadd.s32 s5, s7;
	[dreg:$0x0] =	wrdreg $0x0  }
0xae: {  	s7 =	sshll.u32 s28, $0x1;
	[dreg:$0x2] =	wrdreg s5  }
0xaf: {  	[dreg:$0x3] =	wrdreg s7  }
0xb0: {  	[dreg:$0x4] =	wrdreg $0xC0  }
0xb1: {  	_ =	task [dreg:s9], $0x5FFFF  }
0xb2: {  	[dreg:$0x1] =	wrdreg $0xFFFFFFFF  }
0xb3: {  	[dreg:$0x0] =	wrdreg $0x60  }
0xb4: {  	[dreg:$0x2] =	wrdreg s15  }
0xb5: {  	[dreg:$0x3] =	wrdreg s24  }
0xb6: {  	[dreg:$0x4] =	wrdreg s16  }
0xb7: {  	[dreg:$0x5] =	wrdreg s17  }
0xb8: {  	[dreg:$0x6] =	wrdreg $0x5F800  }
0xb9: {  	[dreg:$0x7] =	wrdreg $0x9  }
0xba: {  	_ =	task.clear_ibuf [dreg:s9], $0x8FFFF;
	_ =	strace $0x90000046  }
0xbb: {  	s29 =	simm.s32 $0x9;
	_ =	strace $0x80000048  }
0xbc: {  	_ =	swait.ge [sflag:s29], $0x1  }
0xbd: {  	[sflag:s29] =	ssyncadd.s32 $0xFFFFFFFF  }
0xbe: {  	_ =	strace $0x90000048  }
0xbf: {  	_ =	sfence  }
0xc0: {  	s30 =	sld [smem:$0x0];
	_ =	sdelay $0x2  }
0xc1: {  	s31 =	sshll.u32 s1, $0xD;
	s1 =	sshrl.u32 s1, $0x2  }
0xc2: {  	s3 =	sand.u32 $0x4000, s31;
	s1 =	sadd.s32 s1, s30  }
0xc3: {  	s0 =	sor.u32 s3, s0;
	s1 =	sshll.u32 s1, $0x11  }
0xc4: {  	s0 =	sor.u32 s1, s0  }
0xc5: {  	s0 =	sadd.s32 $0x8F2B, s0  }
0xc6: {  	[sflag:s0] =	ssyncadd.remote.s32 $0x1  }
0xc7: {  	_ =	sfence.sel $0xFFFF  }
0xc8: {  	[dreg:$0x0] =	wrdreg $0xFFFFFFFF;
	(pc) =	sbr.abs _section_cstart, $3  }
0xc9: {  	[dreg:$0x1] =	wrdreg $0xFFFFFFFF  }
0xca: {  	_ =	task.clear_ibuf [dreg:s9], $0x2FFFF;
	_ =	strace $0x9FFFFFFF  }
0xcb: {  	(tm) =	ssettm $0x7FFFFFFF  }
tec
execute0_lowered:
.L_overlay_start_1:
0x0: {  	(tag) =	ssettag $0x1  }
0x1: {  	s0 =	rddreg [dreg:$0x0]  }
0x2: {  	s2 =	rddreg [dreg:$0x1]  }
0x3: {  	s1 =	rddreg [dreg:$0x2];
	s3 =	srdreg.scid  }
0x4: {  	s6 =	rddreg [dreg:$0x3];
	s8 =	stileid.u32;
	s4 =	simm.s32 $0x0  }
0x5: {  	s28 =	simm.s32 $0x80;
	s31 =	simm.s32 $0x300;
	s19 =	smul.u32 $0x2710, s8  }
0x6: {  	s7 =	sand.u32 $0x1, s3;
	s3 =	rddreg [dreg:$0x4];
	s22 =	smul.u32 $0x4E000, s8  }
0x7: {  	[smem:$0x7FF] =	sst s4;
	s14 =	sshrl.u32 s8, $0x3;
	s10 =	smul.u32 $0x27180, s7  }
0x8: {  	s17 =	sshll.u32 s8, $0x7;
	p0 =	sne.s32 s8, $0x0;
	s13 =	smul.u32 $0x27800, s7  }
0x9: {  	s5 =	sshll.u32 s7, $0x4;
	_ =	strace $0x80000047;
	s16 =	smul.u32 $0x13C00, s14  }
0xa: {  	s11 =	ssub.s32 $0x2, s7;
	s7 =	smul.u32 $0x27100, s7;
	s20 =	sadd.s32 $0x138000, s3  }
0xb: {  	s14 =	simm.s32 $0x2;
	s5 =	sor.u32 s8, s5;
	s12 =	sshrl.u32 s11, $0x1  }
0xc: {  	[dreg:$0xe] =	wrdreg s20;
	s8 =	simm.s32 $0x6;
	s9 =	smul.u32 $0x2710, s5  }
0xd: {  	s5 =	sadd.s32 $0x1E00, s2;
	s2 =	sadd.s32 s10, s2;
	s23 =	ssub.s32 s11, s12  }
0xe: {  	s7 =	sadd.s32 s19, s7;
	s10 =	simm.s32 $0x50;
	s2 =	sadd.s32 $0xBC00, s2  }
0xf: {  	s23 =	smax.u32 s23, $0x1;
	s9 =	sshrl.u32 s9, $0x3;
	[dreg:$0x10] =	wrdreg s2  }
0x10: {  	[dreg:$0x11] =	wrdreg s23;
	s24 =	sadd.s32 $0xA, s9;
	s25 =	sadd.s32 s5, s9  }
0x11: {  	s26 =	sadd.s32 s1, s9;
	s30 =	sadd.s32 $0x14, s9;
	[dreg:$0x6] =	wrdreg s25  }
0x12: {  	s9 =	sadd.s32 $0x1E, s9;
	[dreg:$0x7] =	wrdreg s26;
	s29 =	sadd.s32 s5, s24  }
0x13: {  	s11 =	sadd.s32 s1, s24;
	s15 =	sadd.s32 s5, s30;
	[dreg:$0x8] =	wrdreg s29  }
0x14: {  	s12 =	sadd.s32 s1, s30;
	s18 =	sadd.s32 s5, s9;
	[dreg:$0x9] =	wrdreg s11  }
0x15: {  	s9 =	sadd.s32 s1, s9;
	s24 =	sadd.s32 $0x230, s7;
	[dreg:$0xa] =	wrdreg s15  }
0x16: {  	s25 =	sadd.s32 $0x1E0, s7;
	s30 =	sadd.s32 $0x140, s7;
	[dreg:$0xb] =	wrdreg s12  }
0x17: {  	s11 =	sadd.s32 s13, s16;
	s12 =	sand.u32 $0x380, s17;
	[dreg:$0xc] =	wrdreg s18  }
0x18: {  	[dreg:$0xd] =	wrdreg s9;
	s2 =	sshrl.u32 s24, $0x3;
	s26 =	sshrl.u32 s25, $0x3  }
0x19: {  	s29 =	sadd.s32 $0x190, s7;
	[dreg:$0x12] =	wrdreg s30;
	s7 =	simm.s32 $0x2C00  }
0x1a: {  	s9 =	simm.s32 $0x1;
	s13 =	simm.s32 $0x3800;
	s15 =	simm.s32 $0x3  }
0x1b: {  	s16 =	simm.s32 $0x4;
	s25 =	simm.s32 $0x0;
	s11 =	sor.u32 s12, s11  }
0x1c: {  	s19 =	sadd.s32 s2, s1;
	s20 =	sadd.s32 s2, s5;
	s2 =	sshrl.u32 s29, $0x3  }
.Ltmp0:
0x1d: {  	s12 =	simm.s32 $0x5;
	s21 =	sshrl.u32 s11, $0x3;
	(pc) =	sbr.rel .LBB2_1-.Ltmp0, $4  }
0x1e: {  	s23 =	sadd.s32 s2, s1;
	s24 =	sadd.s32 s2, s5;
	s2 =	simm.s32 $0x180  }
0x1f: {  	s11 =	simm.s32 $0x400;
	s6 =	sadd.s32 s6, s21;
	s21 =	sadd.s32 s26, s1  }
0x20: {  	[dreg:$0xf] =	wrdreg s6;
	s6 =	sshrl.u32 s22, $0x2;
	s22 =	sadd.s32 s26, s5  }
0x21: {  	v0 =	vimm.f32 $0.0e+00;
	v1 =	vimm.f32 $1.000000000e+00;
	s26 =	simm.s32 $0x200;
	s18 =	sadd.s32 s6, s3;
	s6 =	simm.s32 $0x380  }
.LBB2_8:
0x22: {  	_ =	swait.ge [sflag:s9], $0x50  }
0x23: {  	[sflag:s9] =	ssyncset.done $0x0  }
0x24: {  	[sflag:s9] =	ssyncadd.s32 $0xFFFFFFB0  }
0x25: {  	_ =	swait.ge [sflag:s9], $0x50  }
0x26: {  	[sflag:s9] =	ssyncset.done $0x0  }
0x27: {  	[sflag:s9] =	ssyncadd.s32 $0xFFFFFFB0  }
0x28: {  	[tilespmem:s11], [sflag:$0x5] =	stream.indirect.gather [hbm4b:s0+s10], $0x80, s4, s10, $0xb8;
	[tilespmem:$0x19840] =	vst v63  }
0x29: {  	_ =	swait.ge [sflag:s12], $0x2800  }
0x2a: {  	[sflag:s12] =	ssyncset.done $0x0  }
0x2b: {  	[sflag:s12] =	ssyncadd.s32 $0xFFFFD800  }
0x2c: {  	[spmem:s3] =	stream.indirect.scatter.add.f32 [tilespmem:s11], [sflag:$0x6], $0x80, s26, s10, $0xb8;
	[tilespmem:$0x19840] =	vst v63  }
0x2d: {  	_ =	swait.ge [sflag:s8], $0x2800  }
0x2e: {  	[sflag:s8] =	ssyncset.done $0x0  }
0x2f: {  	[sflag:s8] =	ssyncadd.s32 $0xFFFFD800  }
0x30: {  	v2 =	vld [tilespmem:$0x200];
	_ =	sdelay $0x7  }
0x31: {  	[tilespmem:v2+s13+$0x0] =	vst.idx.add.f32.msk $0xffff, v1  }
0x32: {  	v2 =	vld [tilespmem:$0x210];
	_ =	sdelay $0x7  }
0x33: {  	[tilespmem:v2+s13+$0x0] =	vst.idx.add.f32.msk $0xffff, v1  }
0x34: {  	v2 =	vld [tilespmem:$0x220];
	_ =	sdelay $0x7  }
0x35: {  	[tilespmem:v2+s13+$0x0] =	vst.idx.add.f32.msk $0xffff, v1  }
0x36: {  	v2 =	vld [tilespmem:$0x230];
	_ =	sdelay $0x7  }
0x37: {  	[tilespmem:v2+s13+$0x0] =	vst.idx.add.f32.msk $0xffff, v1  }
0x38: {  	v2 =	vld [tilespmem:$0x240];
	_ =	sdelay $0x7  }
0x39: {  	[tilespmem:v2+s13+$0x0] =	vst.idx.add.f32.msk $0xffff, v1  }
0x3a: {  	[bflag:$0x0] =	sbarrier.arrive $0xFFFF  }
0x3b: {  	s1 =	rddreg [dreg:$0xf]  }
0x3c: {  	[hbm4b:s1+s28] =	stream.strided.scatter [tilespmem:s13], [sflag:$0x6], $0x2780, s11, s28, $0x38;
	[tilespmem:$0x19840] =	vst v63  }
0x3d: {  	_ =	swait.ge [sflag:s8], $0x2780  }
0x3e: {  	s17 =	simm.s32 @!p0 $0x1C06;
	[sflag:s8] =	ssyncset.done $0x0  }
0x3f: {  	s1 =	sshrl.u32 @!p0 s3, $0x3;
	s25 =	rddreg [dreg:$0x10];
	[sflag:s8] =	ssyncadd.s32 $0xFFFFD880  }
0x40: {  	[hbm:s25], [sflag:s17] =	dma.local @!p0 [spmem:s1], $0x27180  }
0x41: {  	s1 =	simm.s32 @!p0 $0x6  }
0x42: {  	_ =	swait.ge @!p0 [sflag:s1], $0x27180  }
0x43: {  	s29 =	rddreg [dreg:$0x13]  }
0x44: {  	s30 =	rddreg [dreg:$0x11];
	s25 =	sadd.s32 $0x1, s29  }
0x45: {  	p1 =	sne.s32 s25, s30  }
.Ltmp1:
0x46: {  	_ = 	snop;
	(pc) =	sbr.rel @!p1 .LBB2_9-.Ltmp1, $3  }
0x47: {  	_ =	sdelay $0x1  }
0x48: {  	[sflag:s1] =	ssyncset.done @!p0 $0x0  }
0x49: {  	[sflag:s1] =	ssyncadd.s32 @!p0 $0xFFFD8E80  }
.LBB2_1:
0x4a: {  	[dreg:$0x13] =	wrdreg s25  }
0x4b: {  	s1 =	rddreg [dreg:$0x6]  }
0x4c: {  	[tilespmem:s4], [sflag:$0x1] =	stream.linear.gather [hbm4b:s1+s4], $0x50, $0x38;
	[tilespmem:$0x19840] =	vst v63  }
0x4d: {  	s30 =	rddreg [dreg:$0x7]  }
0x4e: {  	[tilespmem:s26], [sflag:$0x1] =	stream.linear.gather [hbm4b:s30+s4], $0x50, $0x38;
	[tilespmem:$0x19840] =	vst v63  }
0x4f: {  	s17 =	rddreg [dreg:$0x8]  }
0x50: {  	[tilespmem:s28], [sflag:$0x2] =	stream.linear.gather [hbm4b:s17+s4], $0x50, $0x38;
	[tilespmem:$0x19840] =	vst v63  }
0x51: {  	s25 =	rddreg [dreg:$0x9];
	s17 =	simm.s32 $0x280  }
0x52: {  	[tilespmem:s17], [sflag:$0x2] =	stream.linear.gather [hbm4b:s25+s4], $0x50, $0x38;
	[tilespmem:$0x19840] =	vst v63  }
0x53: {  	s29 =	rddreg [dreg:$0xa];
	s30 =	simm.s32 $0x100  }
0x54: {  	[tilespmem:s30], [sflag:$0x3] =	stream.linear.gather [hbm4b:s29+s4], $0x50, $0x38;
	[tilespmem:$0x19840] =	vst v63  }
0x55: {  	s17 =	rddreg [dreg:$0xb]  }
0x56: {  	[tilespmem:s31], [sflag:$0x3] =	stream.linear.gather [hbm4b:s17+s4], $0x50, $0x38;
	[tilespmem:$0x19840] =	vst v63  }
0x57: {  	s25 =	rddreg [dreg:$0xc]  }
0x58: {  	[tilespmem:s2], [sflag:$0x4] =	stream.linear.gather [hbm4b:s25+s4], $0x50, $0x38;
	[tilespmem:$0x19840] =	vst v63  }
0x59: {  	s29 =	rddreg [dreg:$0xd]  }
0x5a: {  	[tilespmem:s6], [sflag:$0x4] =	stream.linear.gather [hbm4b:s29+s4], $0x50, $0x38;
	[tilespmem:$0x19840] =	vst v63  }
0x5b: {  	[tilespmem:$0x2C00] =	vst v0  }
0x5c: {  	[tilespmem:$0x2C10] =	vst v0  }
0x5d: {  	[tilespmem:$0x2C20] =	vst v0  }
0x5e: {  	[tilespmem:$0x2C30] =	vst v0  }
0x5f: {  	[tilespmem:$0x2C40] =	vst v0  }
0x60: {  	[tilespmem:$0x2C50] =	vst v0  }
0x61: {  	[tilespmem:$0x2C60] =	vst v0  }
0x62: {  	[tilespmem:$0x2C70] =	vst v0  }
0x63: {  	[tilespmem:$0x2C80] =	vst v0  }
0x64: {  	[tilespmem:$0x2C90] =	vst v0  }
0x65: {  	[tilespmem:$0x2CA0] =	vst v0  }
0x66: {  	[tilespmem:$0x2CB0] =	vst v0  }
0x67: {  	[tilespmem:$0x2CC0] =	vst v0  }
0x68: {  	[tilespmem:$0x2CD0] =	vst v0  }
0x69: {  	[tilespmem:$0x2CE0] =	vst v0  }
0x6a: {  	[tilespmem:$0x2CF0] =	vst v0  }
0x6b: {  	[tilespmem:$0x2D00] =	vst v0  }
0x6c: {  	[tilespmem:$0x2D10] =	vst v0  }
0x6d: {  	[tilespmem:$0x2D20] =	vst v0  }
0x6e: {  	[tilespmem:$0x2D30] =	vst v0  }
0x6f: {  	[tilespmem:$0x2D40] =	vst v0  }
0x70: {  	[tilespmem:$0x2D50] =	vst v0  }
0x71: {  	[tilespmem:$0x2D60] =	vst v0  }
0x72: {  	[tilespmem:$0x2D70] =	vst v0  }
0x73: {  	[tilespmem:$0x2D80] =	vst v0  }
0x74: {  	[tilespmem:$0x2D90] =	vst v0  }
0x75: {  	[tilespmem:$0x2DA0] =	vst v0  }
0x76: {  	[tilespmem:$0x2DB0] =	vst v0  }
0x77: {  	[tilespmem:$0x2DC0] =	vst v0  }
0x78: {  	[tilespmem:$0x2DD0] =	vst v0  }
0x79: {  	[tilespmem:$0x2DE0] =	vst v0  }
0x7a: {  	[tilespmem:$0x2DF0] =	vst v0  }
0x7b: {  	[tilespmem:$0x2E00] =	vst v0  }
0x7c: {  	[tilespmem:$0x2E10] =	vst v0  }
0x7d: {  	[tilespmem:$0x2E20] =	vst v0  }
0x7e: {  	[tilespmem:$0x2E30] =	vst v0  }
0x7f: {  	[tilespmem:$0x2E40] =	vst v0  }
0x80: {  	[tilespmem:$0x2E50] =	vst v0  }
0x81: {  	[tilespmem:$0x2E60] =	vst v0  }
0x82: {  	[tilespmem:$0x2E70] =	vst v0  }
0x83: {  	[tilespmem:$0x2E80] =	vst v0  }
0x84: {  	[tilespmem:$0x2E90] =	vst v0  }
0x85: {  	[tilespmem:$0x2EA0] =	vst v0  }
0x86: {  	[tilespmem:$0x2EB0] =	vst v0  }
0x87: {  	[tilespmem:$0x2EC0] =	vst v0  }
0x88: {  	[tilespmem:$0x2ED0] =	vst v0  }
0x89: {  	[tilespmem:$0x2EE0] =	vst v0  }
0x8a: {  	[tilespmem:$0x2EF0] =	vst v0  }
0x8b: {  	[tilespmem:$0x2F00] =	vst v0  }
0x8c: {  	[tilespmem:$0x2F10] =	vst v0  }
0x8d: {  	[tilespmem:$0x2F20] =	vst v0  }
0x8e: {  	[tilespmem:$0x2F30] =	vst v0  }
0x8f: {  	[tilespmem:$0x2F40] =	vst v0  }
0x90: {  	[tilespmem:$0x2F50] =	vst v0  }
0x91: {  	[tilespmem:$0x2F60] =	vst v0  }
0x92: {  	[tilespmem:$0x2F70] =	vst v0  }
0x93: {  	[tilespmem:$0x2F80] =	vst v0  }
0x94: {  	[tilespmem:$0x2F90] =	vst v0  }
0x95: {  	[tilespmem:$0x2FA0] =	vst v0  }
0x96: {  	[tilespmem:$0x2FB0] =	vst v0  }
0x97: {  	[tilespmem:$0x2FC0] =	vst v0  }
0x98: {  	[tilespmem:$0x2FD0] =	vst v0  }
0x99: {  	[tilespmem:$0x2FE0] =	vst v0  }
0x9a: {  	[tilespmem:$0x2FF0] =	vst v0  }
0x9b: {  	[tilespmem:$0x3000] =	vst v0  }
0x9c: {  	[tilespmem:$0x3010] =	vst v0  }
0x9d: {  	[tilespmem:$0x3020] =	vst v0  }
0x9e: {  	[tilespmem:$0x3030] =	vst v0  }
0x9f: {  	[tilespmem:$0x3040] =	vst v0  }
0xa0: {  	[tilespmem:$0x3050] =	vst v0  }
0xa1: {  	[tilespmem:$0x3060] =	vst v0  }
0xa2: {  	[tilespmem:$0x3070] =	vst v0  }
0xa3: {  	[tilespmem:$0x3080] =	vst v0  }
0xa4: {  	[tilespmem:$0x3090] =	vst v0  }
0xa5: {  	[tilespmem:$0x30A0] =	vst v0  }
0xa6: {  	[tilespmem:$0x30B0] =	vst v0  }
0xa7: {  	[tilespmem:$0x30C0] =	vst v0  }
0xa8: {  	[tilespmem:$0x30D0] =	vst v0  }
0xa9: {  	[tilespmem:$0x30E0] =	vst v0  }
0xaa: {  	[tilespmem:$0x30F0] =	vst v0  }
0xab: {  	[tilespmem:$0x3100] =	vst v0  }
0xac: {  	[tilespmem:$0x3110] =	vst v0  }
0xad: {  	[tilespmem:$0x3120] =	vst v0  }
0xae: {  	[tilespmem:$0x3130] =	vst v0  }
0xaf: {  	[tilespmem:$0x3140] =	vst v0  }
0xb0: {  	[tilespmem:$0x3150] =	vst v0  }
0xb1: {  	[tilespmem:$0x3160] =	vst v0  }
0xb2: {  	[tilespmem:$0x3170] =	vst v0  }
0xb3: {  	[tilespmem:$0x3180] =	vst v0  }
0xb4: {  	[tilespmem:$0x3190] =	vst v0  }
0xb5: {  	[tilespmem:$0x31A0] =	vst v0  }
0xb6: {  	[tilespmem:$0x31B0] =	vst v0  }
0xb7: {  	[tilespmem:$0x31C0] =	vst v0  }
0xb8: {  	[tilespmem:$0x31D0] =	vst v0  }
0xb9: {  	[tilespmem:$0x31E0] =	vst v0  }
0xba: {  	[tilespmem:$0x31F0] =	vst v0  }
0xbb: {  	[tilespmem:$0x3200] =	vst v0  }
0xbc: {  	[tilespmem:$0x3210] =	vst v0  }
0xbd: {  	[tilespmem:$0x3220] =	vst v0  }
0xbe: {  	[tilespmem:$0x3230] =	vst v0  }
0xbf: {  	[tilespmem:$0x3240] =	vst v0  }
0xc0: {  	[tilespmem:$0x3250] =	vst v0  }
0xc1: {  	[tilespmem:$0x3260] =	vst v0  }
0xc2: {  	[tilespmem:$0x3270] =	vst v0  }
0xc3: {  	[tilespmem:$0x3280] =	vst v0  }
0xc4: {  	[tilespmem:$0x3290] =	vst v0  }
0xc5: {  	[tilespmem:$0x32A0] =	vst v0  }
0xc6: {  	[tilespmem:$0x32B0] =	vst v0  }
0xc7: {  	[tilespmem:$0x32C0] =	vst v0  }
0xc8: {  	[tilespmem:$0x32D0] =	vst v0  }
0xc9: {  	[tilespmem:$0x32E0] =	vst v0  }
0xca: {  	[tilespmem:$0x32F0] =	vst v0  }
0xcb: {  	[tilespmem:$0x3300] =	vst v0  }
0xcc: {  	[tilespmem:$0x3310] =	vst v0  }
0xcd: {  	[tilespmem:$0x3320] =	vst v0  }
0xce: {  	[tilespmem:$0x3330] =	vst v0  }
0xcf: {  	[tilespmem:$0x3340] =	vst v0  }
0xd0: {  	[tilespmem:$0x3350] =	vst v0  }
0xd1: {  	[tilespmem:$0x3360] =	vst v0  }
0xd2: {  	[tilespmem:$0x3370] =	vst v0  }
0xd3: {  	[tilespmem:$0x3380] =	vst v0  }
0xd4: {  	[tilespmem:$0x3390] =	vst v0  }
0xd5: {  	[tilespmem:$0x33A0] =	vst v0  }
0xd6: {  	[tilespmem:$0x33B0] =	vst v0  }
0xd7: {  	[tilespmem:$0x33C0] =	vst v0  }
0xd8: {  	[tilespmem:$0x33D0] =	vst v0  }
0xd9: {  	[tilespmem:$0x33E0] =	vst v0  }
0xda: {  	[tilespmem:$0x33F0] =	vst v0  }
0xdb: {  	[tilespmem:$0x3400] =	vst v0  }
0xdc: {  	[tilespmem:$0x3410] =	vst v0  }
0xdd: {  	[tilespmem:$0x3420] =	vst v0  }
0xde: {  	[tilespmem:$0x3430] =	vst v0  }
0xdf: {  	[tilespmem:$0x3440] =	vst v0  }
0xe0: {  	[tilespmem:$0x3450] =	vst v0  }
0xe1: {  	[tilespmem:$0x3460] =	vst v0  }
0xe2: {  	[tilespmem:$0x3470] =	vst v0  }
0xe3: {  	[tilespmem:$0x3480] =	vst v0  }
0xe4: {  	[tilespmem:$0x3490] =	vst v0  }
0xe5: {  	[tilespmem:$0x34A0] =	vst v0  }
0xe6: {  	[tilespmem:$0x34B0] =	vst v0  }
0xe7: {  	[tilespmem:$0x34C0] =	vst v0  }
0xe8: {  	[tilespmem:$0x34D0] =	vst v0  }
0xe9: {  	[tilespmem:$0x34E0] =	vst v0  }
0xea: {  	[tilespmem:$0x34F0] =	vst v0  }
0xeb: {  	[tilespmem:$0x3500] =	vst v0  }
0xec: {  	[tilespmem:$0x3510] =	vst v0  }
0xed: {  	[tilespmem:$0x3520] =	vst v0  }
0xee: {  	[tilespmem:$0x3530] =	vst v0  }
0xef: {  	[tilespmem:$0x3540] =	vst v0  }
0xf0: {  	[tilespmem:$0x3550] =	vst v0  }
0xf1: {  	[tilespmem:$0x3560] =	vst v0  }
0xf2: {  	[tilespmem:$0x3570] =	vst v0  }
0xf3: {  	[tilespmem:$0x3580] =	vst v0  }
0xf4: {  	[tilespmem:$0x3590] =	vst v0  }
0xf5: {  	[tilespmem:$0x35A0] =	vst v0  }
0xf6: {  	[tilespmem:$0x35B0] =	vst v0  }
0xf7: {  	[tilespmem:$0x35C0] =	vst v0  }
0xf8: {  	[tilespmem:$0x35D0] =	vst v0  }
0xf9: {  	[tilespmem:$0x35E0] =	vst v0  }
0xfa: {  	[tilespmem:$0x35F0] =	vst v0  }
0xfb: {  	[tilespmem:$0x3600] =	vst v0  }
0xfc: {  	[tilespmem:$0x3610] =	vst v0  }
0xfd: {  	[tilespmem:$0x3620] =	vst v0  }
0xfe: {  	[tilespmem:$0x3630] =	vst v0  }
0xff: {  	[tilespmem:$0x3640] =	vst v0  }
0x100: {  	[tilespmem:$0x3650] =	vst v0  }
0x101: {  	[tilespmem:$0x3660] =	vst v0  }
0x102: {  	[tilespmem:$0x3670] =	vst v0  }
0x103: {  	[tilespmem:$0x3680] =	vst v0  }
0x104: {  	[tilespmem:$0x3690] =	vst v0  }
0x105: {  	[tilespmem:$0x36A0] =	vst v0  }
0x106: {  	[tilespmem:$0x36B0] =	vst v0  }
0x107: {  	[tilespmem:$0x36C0] =	vst v0  }
0x108: {  	[tilespmem:$0x36D0] =	vst v0  }
0x109: {  	[tilespmem:$0x36E0] =	vst v0  }
0x10a: {  	[tilespmem:$0x36F0] =	vst v0  }
0x10b: {  	[tilespmem:$0x3700] =	vst v0  }
0x10c: {  	[tilespmem:$0x3710] =	vst v0  }
0x10d: {  	[tilespmem:$0x3720] =	vst v0  }
0x10e: {  	[tilespmem:$0x3730] =	vst v0  }
0x10f: {  	[tilespmem:$0x3740] =	vst v0  }
0x110: {  	[tilespmem:$0x3750] =	vst v0  }
0x111: {  	[tilespmem:$0x3760] =	vst v0  }
0x112: {  	[tilespmem:$0x3770] =	vst v0  }
0x113: {  	[tilespmem:$0x3780] =	vst v0  }
0x114: {  	[tilespmem:$0x3790] =	vst v0  }
0x115: {  	[tilespmem:$0x37A0] =	vst v0  }
0x116: {  	[tilespmem:$0x37B0] =	vst v0  }
0x117: {  	[tilespmem:$0x37C0] =	vst v0  }
0x118: {  	[tilespmem:$0x37D0] =	vst v0  }
0x119: {  	[tilespmem:$0x37E0] =	vst v0  }
0x11a: {  	s30 =	sadd.s32 $0x0, s18;
	[tilespmem:$0x37F0] =	vst v0  }
0x11b: {  	[spmem:s30] =	stream.linear.scatter [tilespmem:s7], [sflag:$0x6], $0xC00, $0x38;
	[tilespmem:$0x19840] =	vst v63  }
0x11c: {  	s17 =	simm.s32 $0x3000;
	_ =	swait.ge [sflag:s8], $0xC00  }
.LBB2_2:
0x11d: {  	s25 =	sshra.s32 s17, $0x2;
	[sflag:s8] =	ssyncset.done $0x0;
	p1 =	sne.s32 s17, $0x4B000  }
.Ltmp2:
0x11e: {  	s25 =	sadd.s32 s25, s18;
	[sflag:s8] =	ssyncadd.s32 $0xFFFFF400;
	(pc) =	sbr.rel @p1 .LBB2_2-.Ltmp2, $3  }
0x11f: {  	[spmem:s25] =	stream.linear.scatter [tilespmem:s7], [sflag:$0x6], $0xC00, $0x38;
	[tilespmem:$0x19840] =	vst v63  }
0x120: {  	s17 =	sadd.s32 $0x3000, s17;
	_ =	sdelay $0x1  }
0x121: {  	_ =	swait.ge [sflag:s8], $0xC00  }
0x122: {  	[sflag:s8] =	ssyncset.done $0x0  }
0x123: {  	s17 =	simm.s32 @!p0 $0x2C00;
	s1 =	rddreg [dreg:$0xe];
	[sflag:s8] =	ssyncadd.s32 $0xFFFFF400  }
0x124: {  	[spmem:s1] =	stream.linear.scatter @!p0 [tilespmem:s17], [sflag:$0x6], $0xC00, $0x38;
	[tilespmem:$0x19840] =	vst v63  }
0x125: {  	s17 =	simm.s32 @!p0 $0x6  }
0x126: {  	_ =	swait.ge @!p0 [sflag:s17], $0xC00  }
0x127: {  	[sflag:s17] =	ssyncset.done @!p0 $0x0  }
0x128: {  	s25 =	simm.s32 $0x0;
	[sflag:s17] =	ssyncadd.s32 @!p0 $0xFFFFF400;
	s17 =	simm.s32 $0x40  }
.LBB2_4:
0x129: {  	p1 =	sne.s32 s17, $0x9C40;
	[tilespmem:s25+$0x3800] =	vst v0;
	s25 =	smov.u32 s17;
	s17 =	sadd.s32 $0x40, s17  }
.Ltmp3:
0x12a: {  	(pc) =	sbr.rel @p1 .LBB2_4-.Ltmp3, $2  }
0x12b: {  	_ =	sdelay $0x2  }
0x12c: {  	s25 =	sshra.s32 s25, $0x2  }
0x12d: {  	[tilespmem:s25+$0x3800] =	vst v0  }
0x12e: {  	[bflag:$0x0] =	sbarrier.arrive $0xFFFF  }
0x12f: {  	s25 =	simm.s32 $0x0;
	s17 =	rddreg [dreg:$0x12]  }
.LBB2_6:
0x130: {  	_ =	swait.ge [sflag:s9], $0x50  }
0x131: {  	[sflag:s9] =	ssyncset.done $0x0  }
0x132: {  	[sflag:s9] =	ssyncadd.s32 $0xFFFFFFB0  }
0x133: {  	_ =	swait.ge [sflag:s9], $0x50  }
0x134: {  	[sflag:s9] =	ssyncset.done $0x0  }
0x135: {  	[sflag:s9] =	ssyncadd.s32 $0xFFFFFFB0  }
0x136: {  	[tilespmem:s11], [sflag:$0x5] =	stream.indirect.gather [hbm4b:s0+s10], $0x80, s4, s10, $0xb8;
	[tilespmem:$0x19840] =	vst v63  }
0x137: {  	_ =	swait.ge [sflag:s12], $0x2800  }
0x138: {  	[sflag:s12] =	ssyncset.done $0x0  }
0x139: {  	[sflag:s12] =	ssyncadd.s32 $0xFFFFD800  }
0x13a: {  	[spmem:s3] =	stream.indirect.scatter.add.f32 [tilespmem:s11], [sflag:$0x6], $0x80, s26, s10, $0xb8;
	[tilespmem:$0x19840] =	vst v63  }
0x13b: {  	_ =	swait.ge [sflag:s8], $0x2800  }
0x13c: {  	[sflag:s8] =	ssyncset.done $0x0  }
0x13d: {  	[sflag:s8] =	ssyncadd.s32 $0xFFFFD800  }
0x13e: {  	v2 =	vld [tilespmem:$0x200];
	_ =	sdelay $0x7  }
0x13f: {  	[tilespmem:v2+s13+$0x0] =	vst.idx.add.f32.msk $0xffff, v1  }
0x140: {  	v2 =	vld [tilespmem:$0x210];
	_ =	sdelay $0x7  }
0x141: {  	[tilespmem:v2+s13+$0x0] =	vst.idx.add.f32.msk $0xffff, v1  }
0x142: {  	v2 =	vld [tilespmem:$0x220];
	_ =	sdelay $0x7  }
0x143: {  	[tilespmem:v2+s13+$0x0] =	vst.idx.add.f32.msk $0xffff, v1  }
0x144: {  	v2 =	vld [tilespmem:$0x230];
	_ =	sdelay $0x7  }
0x145: {  	[tilespmem:v2+s13+$0x0] =	vst.idx.add.f32.msk $0xffff, v1  }
0x146: {  	v2 =	vld [tilespmem:$0x240];
	_ =	sdelay $0x6  }
0x147: {  	s1 =	sshrl.u32 s17, $0x3  }
0x148: {  	s29 =	sadd.s32 s5, s1;
	s30 =	rddreg [dreg:$0x2];
	[tilespmem:v2+s13+$0x0] =	vst.idx.add.f32.msk $0xffff, v1  }
0x149: {  	[tilespmem:s4], [sflag:$0x1] =	stream.linear.gather [hbm4b:s29+s4], $0x50, $0x38;
	[tilespmem:$0x19840] =	vst v63  }
0x14a: {  	s1 =	sadd.s32 s30, s1  }
0x14b: {  	[tilespmem:s26], [sflag:$0x1] =	stream.linear.gather [hbm4b:s1+s4], $0x50, $0x38;
	[tilespmem:$0x19840] =	vst v63  }
0x14c: {  	_ =	swait.ge [sflag:s14], $0x50  }
0x14d: {  	[sflag:s14] =	ssyncset.done $0x0  }
0x14e: {  	[sflag:s14] =	ssyncadd.s32 $0xFFFFFFB0  }
0x14f: {  	_ =	swait.ge [sflag:s14], $0x50  }
0x150: {  	[sflag:s14] =	ssyncset.done $0x0  }
0x151: {  	[sflag:s14] =	ssyncadd.s32 $0xFFFFFFB0  }
0x152: {  	[tilespmem:s11], [sflag:$0x5] =	stream.indirect.gather [hbm4b:s0+s10], $0x80, s28, s10, $0xb8;
	[tilespmem:$0x19840] =	vst v63  }
0x153: {  	_ =	swait.ge [sflag:s12], $0x2800  }
0x154: {  	[sflag:s12] =	ssyncset.done $0x0  }
0x155: {  	s29 =	simm.s32 $0x280;
	[sflag:s12] =	ssyncadd.s32 $0xFFFFD800  }
0x156: {  	[spmem:s3] =	stream.indirect.scatter.add.f32 [tilespmem:s11], [sflag:$0x6], $0x80, s29, s10, $0xb8;
	[tilespmem:$0x19840] =	vst v63  }
0x157: {  	_ =	swait.ge [sflag:s8], $0x2800  }
0x158: {  	[sflag:s8] =	ssyncset.done $0x0  }
0x159: {  	[sflag:s8] =	ssyncadd.s32 $0xFFFFD800  }
0x15a: {  	v2 =	vld [tilespmem:$0x280];
	_ =	sdelay $0x7  }
0x15b: {  	[tilespmem:v2+s13+$0x0] =	vst.idx.add.f32.msk $0xffff, v1  }
0x15c: {  	v2 =	vld [tilespmem:$0x290];
	_ =	sdelay $0x7  }
0x15d: {  	[tilespmem:v2+s13+$0x0] =	vst.idx.add.f32.msk $0xffff, v1  }
0x15e: {  	v2 =	vld [tilespmem:$0x2A0];
	_ =	sdelay $0x7  }
0x15f: {  	[tilespmem:v2+s13+$0x0] =	vst.idx.add.f32.msk $0xffff, v1  }
0x160: {  	v2 =	vld [tilespmem:$0x2B0];
	_ =	sdelay $0x7  }
0x161: {  	[tilespmem:v2+s13+$0x0] =	vst.idx.add.f32.msk $0xffff, v1  }
0x162: {  	v2 =	vld [tilespmem:$0x2C0];
	_ =	sdelay $0x6  }
0x163: {  	p1 =	seq.s32 s25, $0x4B0  }
0x164: {  	s30 =	simm.s32 @!p1 $0x80;
	s1 =	sadd.s32 @!p1 s25, s24;
	s29 =	simm.s32 @!p1 $0x0;
	[tilespmem:v2+s13+$0x0] =	vst.idx.add.f32.msk $0xffff, v1  }
0x165: {  	[tilespmem:s30], [sflag:$0x2] =	stream.linear.gather @!p1 [hbm4b:s1+s29], $0x50, $0x38;
	[tilespmem:$0x19840] =	vst v63  }
0x166: {  	s1 =	sadd.s32 @!p1 s25, s23;
	s30 =	simm.s32 @!p1 $0x280  }
0x167: {  	[tilespmem:s30], [sflag:$0x2] =	stream.linear.gather @!p1 [hbm4b:s1+s29], $0x50, $0x38;
	[tilespmem:$0x19840] =	vst v63  }
0x168: {  	_ =	swait.ge [sflag:s15], $0x50  }
0x169: {  	[sflag:s15] =	ssyncset.done $0x0  }
0x16a: {  	[sflag:s15] =	ssyncadd.s32 $0xFFFFFFB0  }
0x16b: {  	_ =	swait.ge [sflag:s15], $0x50  }
0x16c: {  	[sflag:s15] =	ssyncset.done $0x0  }
0x16d: {  	s30 =	simm.s32 $0x100;
	[sflag:s15] =	ssyncadd.s32 $0xFFFFFFB0  }
0x16e: {  	[tilespmem:s11], [sflag:$0x5] =	stream.indirect.gather [hbm4b:s0+s10], $0x80, s30, s10, $0xb8;
	[tilespmem:$0x19840] =	vst v63  }
0x16f: {  	_ =	swait.ge [sflag:s12], $0x2800  }
0x170: {  	[sflag:s12] =	ssyncset.done $0x0  }
0x171: {  	[sflag:s12] =	ssyncadd.s32 $0xFFFFD800  }
0x172: {  	[spmem:s3] =	stream.indirect.scatter.add.f32 [tilespmem:s11], [sflag:$0x6], $0x80, s31, s10, $0xb8;
	[tilespmem:$0x19840] =	vst v63  }
0x173: {  	_ =	swait.ge [sflag:s8], $0x2800  }
0x174: {  	[sflag:s8] =	ssyncset.done $0x0  }
0x175: {  	[sflag:s8] =	ssyncadd.s32 $0xFFFFD800  }
0x176: {  	v2 =	vld [tilespmem:$0x300];
	_ =	sdelay $0x7  }
0x177: {  	[tilespmem:v2+s13+$0x0] =	vst.idx.add.f32.msk $0xffff, v1  }
0x178: {  	v2 =	vld [tilespmem:$0x310];
	_ =	sdelay $0x7  }
0x179: {  	[tilespmem:v2+s13+$0x0] =	vst.idx.add.f32.msk $0xffff, v1  }
0x17a: {  	v2 =	vld [tilespmem:$0x320];
	_ =	sdelay $0x7  }
0x17b: {  	[tilespmem:v2+s13+$0x0] =	vst.idx.add.f32.msk $0xffff, v1  }
0x17c: {  	v2 =	vld [tilespmem:$0x330];
	_ =	sdelay $0x7  }
0x17d: {  	[tilespmem:v2+s13+$0x0] =	vst.idx.add.f32.msk $0xffff, v1  }
0x17e: {  	v2 =	vld [tilespmem:$0x340];
	_ =	sdelay $0x7  }
0x17f: {  	s1 =	sadd.s32 @!p1 s25, s22;
	s30 =	simm.s32 @!p1 $0x100;
	[tilespmem:v2+s13+$0x0] =	vst.idx.add.f32.msk $0xffff, v1  }
0x180: {  	[tilespmem:s30], [sflag:$0x3] =	stream.linear.gather @!p1 [hbm4b:s1+s29], $0x50, $0x38;
	[tilespmem:$0x19840] =	vst v63  }
0x181: {  	s1 =	sadd.s32 @!p1 s25, s21;
	s30 =	simm.s32 @!p1 $0x300  }
0x182: {  	[tilespmem:s30], [sflag:$0x3] =	stream.linear.gather @!p1 [hbm4b:s1+s29], $0x50, $0x38;
	[tilespmem:$0x19840] =	vst v63  }
0x183: {  	_ =	swait.ge [sflag:s16], $0x50  }
0x184: {  	[sflag:s16] =	ssyncset.done $0x0  }
0x185: {  	[sflag:s16] =	ssyncadd.s32 $0xFFFFFFB0  }
0x186: {  	_ =	swait.ge [sflag:s16], $0x50  }
0x187: {  	[sflag:s16] =	ssyncset.done $0x0  }
0x188: {  	[sflag:s16] =	ssyncadd.s32 $0xFFFFFFB0  }
0x189: {  	[tilespmem:s11], [sflag:$0x5] =	stream.indirect.gather [hbm4b:s0+s10], $0x80, s2, s10, $0xb8;
	[tilespmem:$0x19840] =	vst v63  }
0x18a: {  	_ =	swait.ge [sflag:s12], $0x2800  }
0x18b: {  	[sflag:s12] =	ssyncset.done $0x0  }
0x18c: {  	[sflag:s12] =	ssyncadd.s32 $0xFFFFD800  }
0x18d: {  	[spmem:s3] =	stream.indirect.scatter.add.f32 [tilespmem:s11], [sflag:$0x6], $0x80, s6, s10, $0xb8;
	[tilespmem:$0x19840] =	vst v63  }
0x18e: {  	_ =	swait.ge [sflag:s8], $0x2800  }
0x18f: {  	[sflag:s8] =	ssyncset.done $0x0  }
0x190: {  	[sflag:s8] =	ssyncadd.s32 $0xFFFFD800  }
0x191: {  	v2 =	vld [tilespmem:$0x380];
	_ =	sdelay $0x7  }
0x192: {  	[tilespmem:v2+s13+$0x0] =	vst.idx.add.f32.msk $0xffff, v1  }
0x193: {  	v2 =	vld [tilespmem:$0x390];
	_ =	sdelay $0x7  }
0x194: {  	[tilespmem:v2+s13+$0x0] =	vst.idx.add.f32.msk $0xffff, v1  }
0x195: {  	v2 =	vld [tilespmem:$0x3A0];
	_ =	sdelay $0x7  }
0x196: {  	[tilespmem:v2+s13+$0x0] =	vst.idx.add.f32.msk $0xffff, v1  }
0x197: {  	v2 =	vld [tilespmem:$0x3B0];
	_ =	sdelay $0x7  }
0x198: {  	[tilespmem:v2+s13+$0x0] =	vst.idx.add.f32.msk $0xffff, v1  }
0x199: {  	v2 =	vld [tilespmem:$0x3C0];
	_ =	sdelay $0x3  }
.Ltmp4:
0x19a: {  	_ = 	snop;
	(pc) =	sbr.rel @p1 .LBB2_8-.Ltmp4, $2  }
0x19b: {  	_ =	sdelay $0x2  }
0x19c: {  	[tilespmem:v2+s13+$0x0] =	vst.idx.add.f32.msk $0xffff, v1  }
.Ltmp5:
0x19d: {  	(pc) =	sbr.rel .LBB2_6-.Ltmp5, $4  }
0x19e: {  	s1 =	sadd.s32 s25, s20  }
0x19f: {  	[tilespmem:s2], [sflag:$0x4] =	stream.linear.gather [hbm4b:s1+s4], $0x50, $0x38;
	[tilespmem:$0x19840] =	vst v63  }
0x1a0: {  	s30 =	sadd.s32 s25, s19;
	s25 =	sadd.s32 $0x28, s25;
	s17 =	sadd.s32 $0x140, s17  }
0x1a1: {  	[tilespmem:s6], [sflag:$0x4] =	stream.linear.gather [hbm4b:s30+s4], $0x50, $0x38;
	[tilespmem:$0x19840] =	vst v63  }
.LBB2_9:
0x1a2: {  	_ =	sfence.sel $0x180000  }
0x1a3: {  	[bflag:$0x0] =	sbarrier.arrive $0xFFFF  }
0x1a4: {  	_ =	strace $0x90000047  }
0x1a5: {  	[bflag:$0x2] =	sbarrier.arrive $0xFFFF  }
0x1a6: {  	s0 =	rddreg [dreg:$0x5]  }
0x1a7: {  	s0 =	sadd.s32 @!p0 $0x100000, s0  }
0x1a8: {  	[sflag:s0] =	ssyncadd.tile.s32 @!p0 $0x1;
	_ =	shalt  }
.Lfunc_end2:
_tile_overlayer_lowered:
.L_overlay_start_2:
0x1a9: {  	(tag) =	ssettag $0x2  }
0x1aa: {  	s0 =	rddreg [dreg:$0x0];
	s2 =	stileid.u32  }
0x1ab: {  	s1 =	rddreg [dreg:$0x1];
	p0 =	sne.s32 s2, $0x0  }
0x1ac: {  	s3 =	rddreg [dreg:$0x2];
	[bflag:$0x3] =	sbarrier.arrive $0xFFFF;
	s2 =	simm.s32 @!p0 $0x1C06  }
0x1ad: {  	[timem:s3], [sflag:s2] =	dma.local @!p0 [hbm:s0], s1  }
0x1ae: {  	s0 =	simm.s32 @!p0 $0x6  }
0x1af: {  	_ =	swait.ge @!p0 [sflag:s0], s1  }
0x1b0: {  	s1 =	ssub.s32 @!p0 $0x0, s1;
	[sflag:s0] =	ssyncset.done @!p0 $0x0  }
0x1b1: {  	[sflag:s0] =	ssyncadd.s32 @!p0 s1  }
0x1b2: {  	[bflag:$0x3] =	sbarrier.arrive $0xFFFF  }
0x1b3: {  	_ =	shalt  }

</sc_bundles>
